<compile_context>
chip_gen: v7x
topology: tpu7x:2x2x1
jax: 0.10.2.dev20260603
libtpu: 0.0.44.dev20260713+nightly
codegen_flags: <defaults>
</compile_context>

<pallas_src>
import jax
import jax.numpy as jnp
from jax import lax
from jax.experimental import pallas as pl
from jax.experimental.pallas import tpu as pltpu
from jax.experimental.pallas import tpu_sc as plsc

N = 10000
E = 320000
_NC = 2
_NS = 16
_NW = _NC * _NS
_CK = 128
_PASS = 40
_NPASS = 2
_PER_TILE = _CK * _PASS * _NPASS
_EPAD = _NW * _PER_TILE
_NCHUNKS = _EPAD // _CK
_NOUT = 10240
_RPT = _NOUT // _NS
_ZR = 16


def _fill_zero_2d(ref, rows, w):
    def row_body(i, carry):
        def col_body(k, c2):
            ref[i, pl.ds(k * 16, 16)] = jnp.zeros((16,), jnp.float32)
            return c2
        return lax.fori_loop(0, w // 16, col_body, carry)
    lax.fori_loop(0, rows, row_body, 0)


def _fill_const_1d(ref, n, val):
    def body(k, c):
        ref[pl.ds(k * 16, 16)] = jnp.full((16,), val, jnp.float32)
        return c
    lax.fori_loop(0, n // 16, body, 0)


def _make_sc_agg(w, with_deg):
    mesh = plsc.VectorSubcoreMesh(core_axis_name="c", subcore_axis_name="s")
    out_type = [jax.ShapeDtypeStruct((_NC, _NOUT, w), jnp.float32)]
    if with_deg:
        out_type.append(jax.ShapeDtypeStruct((_NC, _NOUT), jnp.float32))
    scratch = [
        pltpu.VMEM((_PASS, _CK), jnp.int32),
        pltpu.VMEM((_PASS, _CK), jnp.int32),
        pltpu.VMEM((_CK, w), jnp.float32),
        pltpu.VMEM((_CK, w), jnp.float32),
        pltpu.VMEM((_ZR, w), jnp.float32),
        pltpu.VMEM_SHARED((_NOUT, w), jnp.float32),
        pltpu.SemaphoreType.DMA,
        pltpu.SemaphoreType.DMA,
    ]
    if with_deg:
        scratch += [
            pltpu.VMEM((_CK,), jnp.float32),
            pltpu.VMEM((2048,), jnp.float32),
            pltpu.VMEM_SHARED((_NOUT,), jnp.float32),
            pltpu.SemaphoreType.DMA,
            pltpu.SemaphoreType.DMA,
        ]

    def body(x_hbm, src_hbm, dst_hbm, *rest):
        if with_deg:
            (part_out, deg_out, src_v, dst_v, buf0, buf1, zbuf,
             accum, sem0, sem1, ones_v, zd, degacc, dsem0, dsem1) = rest
            x_src = x_hbm
        else:
            (part_out, src_v, dst_v, buf0, buf1, zbuf,
             accum, sem0, sem1) = rest
            x_src = x_hbm
        c = lax.axis_index("c")
        s = lax.axis_index("s")
        g = c * _NS + s

        _fill_zero_2d(zbuf, _ZR, w)

        def zero_body(r, carry):
            pltpu.sync_copy(zbuf, accum.at[pl.ds(s * _RPT + r * _ZR, _ZR)])
            return carry
        lax.fori_loop(0, _RPT // _ZR, zero_body, 0)

        if with_deg:
            _fill_const_1d(ones_v, _CK, 1.0)
            _fill_const_1d(zd, 2048, 0.0)

            @pl.when(s == 0)
            def _():
                for r in range(5):
                    pltpu.sync_copy(zd, degacc.at[pl.ds(r * 2048, 2048)])

        plsc.subcore_barrier()

        def one_pass(chunk_base):
            pltpu.sync_copy(src_hbm.at[pl.ds(chunk_base, _PASS)], src_v)
            pltpu.sync_copy(dst_hbm.at[pl.ds(chunk_base, _PASS)], dst_v)
            pltpu.async_copy(x_src.at[src_v.at[0]], buf0, sem0)

            def chunk_body(jj, carry):
                j0 = jj * 2
                j1 = j0 + 1
                pltpu.async_copy(x_src.at[src_v.at[j1]], buf1, sem1)
                pltpu.make_async_copy(
                    x_src.at[src_v.at[j0]], buf0, sem0).wait()
                pltpu.sync_copy(buf0, accum.at[dst_v.at[j0]], add=True)
                if with_deg:
                    @pl.when(jj >= 1)
                    def _():
                        pltpu.make_async_copy(
                            ones_v, degacc.at[dst_v.at[0]], dsem0).wait()
                    pltpu.async_copy(ones_v, degacc.at[dst_v.at[j0]],
                                     dsem0, add=True)

                @pl.when(jj < _PASS // 2 - 1)
                def _():
                    pltpu.async_copy(x_src.at[src_v.at[j0 + 2]], buf0, sem0)

                pltpu.make_async_copy(
                    x_src.at[src_v.at[j1]], buf1, sem1).wait()
                pltpu.sync_copy(buf1, accum.at[dst_v.at[j1]], add=True)
                if with_deg:
                    @pl.when(jj >= 1)
                    def _():
                        pltpu.make_async_copy(
                            ones_v, degacc.at[dst_v.at[0]], dsem1).wait()
                    pltpu.async_copy(ones_v, degacc.at[dst_v.at[j1]],
                                     dsem1, add=True)
                return carry

            lax.fori_loop(0, _PASS // 2, chunk_body, 0)
            if with_deg:
                pltpu.make_async_copy(
                    ones_v, degacc.at[dst_v.at[0]], dsem0).wait()
                pltpu.make_async_copy(
                    ones_v, degacc.at[dst_v.at[0]], dsem1).wait()

        for p in range(_NPASS):
            one_pass(g * _PASS * _NPASS + p * _PASS)

        plsc.subcore_barrier()

        pltpu.sync_copy(accum.at[pl.ds(s * _RPT, _RPT)],
                        part_out.at[c, pl.ds(s * _RPT, _RPT)])
        if with_deg:
            @pl.when(s == 0)
            def _():
                pltpu.sync_copy(degacc, deg_out.at[c])

    return pl.kernel(body, mesh=mesh, out_type=out_type,
                     scratch_types=scratch,
                     compiler_params=pltpu.CompilerParams(
                         use_tc_tiling_on_sc=False))


_sc_agg_128 = _make_sc_agg(128, True)
_sc_agg_64 = _make_sc_agg(64, False)

_RB = 1024


def _tc0_body(x_ref, ws_ref, b_ref, xs_ref):
    xs_ref[...] = (
        jnp.dot(x_ref[...], ws_ref[...], preferred_element_type=jnp.float32)
        + b_ref[...])


def _tc1_body(xs_ref, parts_ref, deg_ref, wn_ref, wn2_ref, h_ref, p2_ref):
    ssum = parts_ref[0] + parts_ref[1]
    d = deg_ref[0] + deg_ref[1]
    neigh = ssum / jnp.maximum(d, 1.0)[:, None]
    h = xs_ref[...] + jnp.dot(neigh, wn_ref[...],
                              preferred_element_type=jnp.float32)
    h = jnp.maximum(h, 0.0)
    h_ref[...] = h
    p2_ref[...] = jnp.dot(h, wn2_ref[...], preferred_element_type=jnp.float32)


def _tc2_body(hs_ref, parts_ref, deg_ref, out_ref):
    ssum = parts_ref[0] + parts_ref[1]
    d = deg_ref[0] + deg_ref[1]
    out_ref[...] = hs_ref[...] + ssum / jnp.maximum(d, 1.0)[:, None]


def _tc0(x, ws, b):
    return pl.pallas_call(
        _tc0_body,
        grid=(_NOUT // _RB,),
        in_specs=[
            pl.BlockSpec((_RB, 128), lambda i: (i, 0)),
            pl.BlockSpec((128, 128), lambda i: (0, 0)),
            pl.BlockSpec((1, 128), lambda i: (0, 0)),
        ],
        out_specs=pl.BlockSpec((_RB, 128), lambda i: (i, 0)),
        out_shape=jax.ShapeDtypeStruct((N, 128), jnp.float32),
    )(x, ws, b)


def _tc1(xs, parts, deg, wn, wn2):
    return pl.pallas_call(
        _tc1_body,
        grid=(_NOUT // _RB,),
        in_specs=[
            pl.BlockSpec((_RB, 128), lambda i: (i, 0)),
            pl.BlockSpec((_NC, _RB, 128), lambda i: (0, i, 0)),
            pl.BlockSpec((_NC, _RB), lambda i: (0, i)),
            pl.BlockSpec((128, 128), lambda i: (0, 0)),
            pl.BlockSpec((128, 64), lambda i: (0, 0)),
        ],
        out_specs=[
            pl.BlockSpec((_RB, 128), lambda i: (i, 0)),
            pl.BlockSpec((_RB, 64), lambda i: (i, 0)),
        ],
        out_shape=[
            jax.ShapeDtypeStruct((N, 128), jnp.float32),
            jax.ShapeDtypeStruct((N, 64), jnp.float32),
        ],
    )(xs, parts, deg, wn, wn2)


def _tc1b(h, ws, b):
    return pl.pallas_call(
        _tc0_body,
        grid=(_NOUT // _RB,),
        in_specs=[
            pl.BlockSpec((_RB, 128), lambda i: (i, 0)),
            pl.BlockSpec((128, 64), lambda i: (0, 0)),
            pl.BlockSpec((1, 64), lambda i: (0, 0)),
        ],
        out_specs=pl.BlockSpec((_RB, 64), lambda i: (i, 0)),
        out_shape=jax.ShapeDtypeStruct((N, 64), jnp.float32),
    )(h, ws, b)


def _tc2(hs, parts, deg):
    return pl.pallas_call(
        _tc2_body,
        grid=(_NOUT // _RB,),
        in_specs=[
            pl.BlockSpec((_RB, 64), lambda i: (i, 0)),
            pl.BlockSpec((_NC, _RB, 64), lambda i: (0, i, 0)),
            pl.BlockSpec((_NC, _RB), lambda i: (0, i)),
        ],
        out_specs=pl.BlockSpec((_RB, 64), lambda i: (i, 0)),
        out_shape=jax.ShapeDtypeStruct((N, 64), jnp.float32),
    )(hs, parts, deg)


def kernel(features, edge_index, W_neigh1, W_self1, b1, W_neigh2, W_self2,
           b2):
    src = edge_index[0]
    dst = edge_index[1]
    pad = _EPAD - E
    pad_src = jnp.arange(pad, dtype=jnp.int32) % N
    pad_dst = N + jnp.arange(pad, dtype=jnp.int32) % (_NOUT - N)
    src2 = jnp.concatenate([src, pad_src]).reshape(_NCHUNKS, _CK)
    dst2 = jnp.concatenate([dst, pad_dst]).reshape(_NCHUNKS, _CK)

    xs = _tc0(features, W_self1, b1.reshape(1, -1))
    parts1, deg = _sc_agg_128(features, src2, dst2)
    h, p2in = _tc1(xs, parts1, deg, W_neigh1, W_neigh2)
    hs2 = _tc1b(h, W_self2, b2.reshape(1, -1))
    parts2, = _sc_agg_64(p2in, src2, dst2)
    out = _tc2(hs2, parts2, deg)
    return out

# --- scband reference (transcript-rebuilt; emitter-appended) ---
"""Pipeline reference for scband-graph-sage-26379689132538 (READ-ONLY COPY).

The authoritative reference and input builder live on the scoring server;
editing this copy changes nothing except your own understanding.
"""

import jax, jax.numpy as jnp
import numpy as np

N = 10000
E = 320000
D = 128
H = 128
C = 64


def setup_inputs(seed: int = 0) -> dict:
    key = jax.random.key(seed)
    ks = jax.random.split(key, 9)
    features = jax.random.normal(ks[0], (N, D), dtype=jnp.float32)
    edge_index = jax.random.randint(ks[1], (2, E), 0, N, dtype=jnp.int32)
    s = 0.05
    W_neigh1 = jax.random.normal(ks[2], (D, H), dtype=jnp.float32) * s
    W_self1 = jax.random.normal(ks[3], (D, H), dtype=jnp.float32) * s
    b1 = jax.random.normal(ks[4], (H,), dtype=jnp.float32) * s
    W_neigh2 = jax.random.normal(ks[5], (H, C), dtype=jnp.float32) * s
    W_self2 = jax.random.normal(ks[6], (H, C), dtype=jnp.float32) * s
    b2 = jax.random.normal(ks[7], (C,), dtype=jnp.float32) * s
    return {"features": features, "edge_index": edge_index,
            "W_neigh1": W_neigh1, "W_self1": W_self1, "b1": b1,
            "W_neigh2": W_neigh2, "W_self2": W_self2, "b2": b2}


def _sage_layer(x, src, dst, W_neigh, W_self, b):
    # mean aggregation over in-neighbors (messages flow src -> dst)
    msgs = jnp.take(x, src, axis=0)                      # gather [E, d]
    summed = jax.ops.segment_sum(msgs, dst, num_segments=N)   # scatter-add [N, d]
    deg = jax.ops.segment_sum(jnp.ones((E,), x.dtype), dst, num_segments=N)
    neigh = summed / jnp.clip(deg, 1.0, None)[:, None]
    return x @ W_self + neigh @ W_neigh + b


def reference(features, edge_index, W_neigh1, W_self1, b1, W_neigh2, W_self2, b2):
    src = edge_index[0]
    dst = edge_index[1]
    h = _sage_layer(features, src, dst, W_neigh1, W_self1, b1)
    h = jax.nn.relu(h)
    # dropout p=0.0 (eval) -> identity
    out = _sage_layer(h, src, dst, W_neigh2, W_self2, b2)
    return jnp.squeeze(out)

if __name__ == "__main__":
    import jax
    _d = setup_inputs()
    print(jax.jit(kernel)(*tuple(_d.values())))

</pallas_src>

<mosaic_0001>
#map = affine_map<(d0, d1) -> (0, 0)>
#map1 = affine_map<(d0, d1) -> (0, 0, 0)>
module attributes {stable_mosaic.version = 14 : i64} {
  func.func @body(%arg0: i32, %arg1: i32, %arg2: memref<10000x64xf32, #tpu.memory_space<hbm>>, %arg3: memref<2560x128xi32, #tpu.memory_space<hbm>>, %arg4: memref<2560x128xi32, #tpu.memory_space<hbm>>, %arg5: memref<2x10240x64xf32, #tpu.memory_space<hbm>>, %arg6: memref<40x128xi32, #tpu.memory_space<vmem>>, %arg7: memref<40x128xi32, #tpu.memory_space<vmem>>, %arg8: memref<128x64xf32, #tpu.memory_space<vmem>>, %arg9: memref<128x64xf32, #tpu.memory_space<vmem>>, %arg10: memref<16x64xf32, #tpu.memory_space<vmem>>, %arg11: memref<10240x64xf32, #tpu.memory_space<vmem_shared>>, %arg12: memref<!tpu.dma_semaphore, #tpu.memory_space<semaphore_mem>>, %arg13: memref<!tpu.dma_semaphore, #tpu.memory_space<semaphore_mem>>) attributes {dimension_semantics = [#tpu.dimension_semantics<core_parallel>, #tpu.dimension_semantics<subcore_parallel>], iteration_bounds = array<i64: 2, 16>, scalar_prefetch = 0 : i64, scratch_operands = 8 : i64, tpu.core_type = #tpu.core_type<sc_vector_subcore>, window_params = [{transform_indices = #map}, {transform_indices = #map}, {transform_indices = #map}, {transform_indices = #map1}]} {
    %mul3A = arith.constant 16 : i32
    %mul3A_0 = arith.muli %arg0, %mul3A : i32
    %add3A = arith.addi %mul3A_0, %arg1 : i32
    %scan3A = arith.constant 0 : i32
    %scan3A_1 = arith.constant 0 : i32
    %scan3A_2 = arith.constant 16 : i32
    %scan3A_3 = arith.addi %scan3A_1, %scan3A_2 : i32
    %scan3A_4 = arith.constant 1 : i32
    scf.for %scan3A_54 = %scan3A_1 to %scan3A_3 step %scan3A_4  : i32 {
      %scan3A_55 = arith.constant 0 : i32
      %scan3A_56 = arith.constant 4 : i32
      %scan3A_57 = arith.addi %scan3A_55, %scan3A_56 : i32
      %scan3A_58 = arith.constant 1 : i32
      scf.for %scan3A_60 = %scan3A_55 to %scan3A_57 step %scan3A_58  : i32 {
        %broadcast_in_dim3A = arith.constant 0.000000e+00 : f32
        %broadcast_in_dim3A_61 = vector.broadcast %broadcast_in_dim3A : f32 to vector<16xf32>
        %mul3A_62 = arith.constant 16 : i32
        %mul3A_63 = arith.muli %scan3A_60, %mul3A_62 : i32
        %swap3A = arith.index_cast %scan3A_54 : i32 to index
        %swap3A_64 = arith.index_cast %mul3A_63 : i32 to index
        %swap3A_65 = tpu.vector_load %arg10[%swap3A, %swap3A_64] {strides = array<i32>} : memref<16x64xf32, #tpu.memory_space<vmem>>, vector<1x16xf32>,
        %swap3A_66 = vector.shape_cast %swap3A_65 : vector<1x16xf32> to vector<16xf32>
        %swap3A_67 = vector.shape_cast %broadcast_in_dim3A_61 : vector<16xf32> to vector<1x16xf32>
        tpu.vector_store %arg10[%swap3A, %swap3A_64], %swap3A_67 {strides = array<i32>} : memref<16x64xf32, #tpu.memory_space<vmem>>, vector<1x16xf32>,
      }
      %scan3A_59 = arith.constant 4 : i32
    }
    %scan3A_5 = arith.constant 16 : i32
    %scan3A_6 = arith.constant 0 : i32
    %scan3A_7 = arith.constant 0 : i32
    %scan3A_8 = arith.constant 40 : i32
    %scan3A_9 = arith.addi %scan3A_7, %scan3A_8 : i32
    %scan3A_10 = arith.constant 1 : i32
    scf.for %scan3A_54 = %scan3A_7 to %scan3A_9 step %scan3A_10  : i32 {
      %mul3A_55 = arith.constant 640 : i32
      %mul3A_56 = arith.muli %arg1, %mul3A_55 : i32
      %mul3A_57 = arith.constant 16 : i32
      %mul3A_58 = arith.muli %scan3A_54, %mul3A_57 : i32
      %add3A_59 = arith.addi %mul3A_56, %mul3A_58 : i32
      "tpu.region"() ({
        %run_scoped3A = tpu.sem_alloc : memref<!tpu.dma_semaphore, #tpu.memory_space<semaphore_mem>>
        %dma_start3A_60 = arith.constant 0 : i32
        %dma_start3A_61 = tpu.memref_slice %arg11[%add3A_59, %dma_start3A_60] : memref<10240x64xf32, #tpu.memory_space<vmem_shared>> -> memref<16x64xf32, #tpu.memory_space<vmem_shared>>
        %dma_start3A_62 = arith.constant 0 : i32
        %dma_start3A_63 = tpu.memref_slice %arg11[%add3A_59, %dma_start3A_62] : memref<10240x64xf32, #tpu.memory_space<vmem_shared>> -> memref<16x64xf32, #tpu.memory_space<vmem_shared>>
        tpu.enqueue_dma source(%arg10 : memref<16x64xf32, #tpu.memory_space<vmem>>) target(%dma_start3A_63 : memref<16x64xf32, #tpu.memory_space<vmem_shared>>) target_semaphore(%run_scoped3A : memref<!tpu.dma_semaphore, #tpu.memory_space<semaphore_mem>>)
        %dma_wait3A = arith.constant 0 : i32
        %dma_wait3A_64 = tpu.memref_slice %arg11[%add3A_59, %dma_wait3A] : memref<10240x64xf32, #tpu.memory_space<vmem_shared>> -> memref<16x64xf32, #tpu.memory_space<vmem_shared>>
        %dma_wait3A_65 = arith.constant 0 : i32
        %dma_wait3A_66 = tpu.memref_slice %arg11[%add3A_59, %dma_wait3A_65] : memref<10240x64xf32, #tpu.memory_space<vmem_shared>> -> memref<16x64xf32, #tpu.memory_space<vmem_shared>>
        tpu.wait_dma2 semaphore(%run_scoped3A : memref<!tpu.dma_semaphore, #tpu.memory_space<semaphore_mem>>) src(%arg10 : memref<16x64xf32, #tpu.memory_space<vmem>>) dst(%dma_wait3A_66 : memref<16x64xf32, #tpu.memory_space<vmem_shared>>)
        tpu.yield
      }) : () -> ()
    }
    %scan3A_11 = arith.constant 40 : i32
    %barrier3A = arith.constant 0 : index
    tpu.barrier barrier_id(%barrier3A)
    %mul3A_12 = arith.constant 40 : i32
    %mul3A_13 = arith.muli %add3A, %mul3A_12 : i32
    %mul3A_14 = arith.constant 2 : i32
    %mul3A_15 = arith.muli %mul3A_13, %mul3A_14 : i32
    %add3A_16 = arith.constant 0 : i32
    %add3A_17 = arith.addi %mul3A_15, %add3A_16 : i32
    "tpu.region"() ({
      %run_scoped3A = tpu.sem_alloc : memref<!tpu.dma_semaphore, #tpu.memory_space<semaphore_mem>>
      %dma_start3A_54 = arith.constant 0 : i32
      %dma_start3A_55 = tpu.memref_slice %arg3[%add3A_17, %dma_start3A_54] : memref<2560x128xi32, #tpu.memory_space<hbm>> -> memref<40x128xi32, #tpu.memory_space<hbm>>
      %dma_start3A_56 = arith.constant 0 : i32
      %dma_start3A_57 = tpu.memref_slice %arg3[%add3A_17, %dma_start3A_56] : memref<2560x128xi32, #tpu.memory_space<hbm>> -> memref<40x128xi32, #tpu.memory_space<hbm>>
      tpu.enqueue_dma source(%dma_start3A_57 : memref<40x128xi32, #tpu.memory_space<hbm>>) target(%arg6 : memref<40x128xi32, #tpu.memory_space<vmem>>) target_semaphore(%run_scoped3A : memref<!tpu.dma_semaphore, #tpu.memory_space<semaphore_mem>>)
      %dma_wait3A = arith.constant 0 : i32
      %dma_wait3A_58 = tpu.memref_slice %arg3[%add3A_17, %dma_wait3A] : memref<2560x128xi32, #tpu.memory_space<hbm>> -> memref<40x128xi32, #tpu.memory_space<hbm>>
      %dma_wait3A_59 = arith.constant 0 : i32
      %dma_wait3A_60 = tpu.memref_slice %arg3[%add3A_17, %dma_wait3A_59] : memref<2560x128xi32, #tpu.memory_space<hbm>> -> memref<40x128xi32, #tpu.memory_space<hbm>>
      tpu.wait_dma2 semaphore(%run_scoped3A : memref<!tpu.dma_semaphore, #tpu.memory_space<semaphore_mem>>) src(%dma_wait3A_60 : memref<40x128xi32, #tpu.memory_space<hbm>>) dst(%arg6 : memref<40x128xi32, #tpu.memory_space<vmem>>)
      tpu.yield
    }) : () -> ()
    "tpu.region"() ({
      %run_scoped3A = tpu.sem_alloc : memref<!tpu.dma_semaphore, #tpu.memory_space<semaphore_mem>>
      %dma_start3A_54 = arith.constant 0 : i32
      %dma_start3A_55 = tpu.memref_slice %arg4[%add3A_17, %dma_start3A_54] : memref<2560x128xi32, #tpu.memory_space<hbm>> -> memref<40x128xi32, #tpu.memory_space<hbm>>
      %dma_start3A_56 = arith.constant 0 : i32
      %dma_start3A_57 = tpu.memref_slice %arg4[%add3A_17, %dma_start3A_56] : memref<2560x128xi32, #tpu.memory_space<hbm>> -> memref<40x128xi32, #tpu.memory_space<hbm>>
      tpu.enqueue_dma source(%dma_start3A_57 : memref<40x128xi32, #tpu.memory_space<hbm>>) target(%arg7 : memref<40x128xi32, #tpu.memory_space<vmem>>) target_semaphore(%run_scoped3A : memref<!tpu.dma_semaphore, #tpu.memory_space<semaphore_mem>>)
      %dma_wait3A = arith.constant 0 : i32
      %dma_wait3A_58 = tpu.memref_slice %arg4[%add3A_17, %dma_wait3A] : memref<2560x128xi32, #tpu.memory_space<hbm>> -> memref<40x128xi32, #tpu.memory_space<hbm>>
      %dma_wait3A_59 = arith.constant 0 : i32
      %dma_wait3A_60 = tpu.memref_slice %arg4[%add3A_17, %dma_wait3A_59] : memref<2560x128xi32, #tpu.memory_space<hbm>> -> memref<40x128xi32, #tpu.memory_space<hbm>>
      tpu.wait_dma2 semaphore(%run_scoped3A : memref<!tpu.dma_semaphore, #tpu.memory_space<semaphore_mem>>) src(%dma_wait3A_60 : memref<40x128xi32, #tpu.memory_space<hbm>>) dst(%arg7 : memref<40x128xi32, #tpu.memory_space<vmem>>)
      tpu.yield
    }) : () -> ()
    %dma_start3A = arith.constant 0 : i32
    %dma_start3A_18 = arith.constant 0 : i32
    %dma_start3A_19 = tpu.memref_slice %arg6[%dma_start3A, %dma_start3A_18] : memref<40x128xi32, #tpu.memory_space<vmem>> -> memref<1x128xi32, #tpu.memory_space<vmem>>
    %dma_start3A_20 = tpu.memref_squeeze %dma_start3A_19 : memref<1x128xi32, #tpu.memory_space<vmem>> -> memref<128xi32, #tpu.memory_space<vmem>>
    %dma_start3A_21 = arith.constant 0 : i32
    %dma_start3A_22 = arith.constant 0 : i32
    %dma_start3A_23 = tpu.memref_slice %arg2[%dma_start3A_21, %dma_start3A_22] : memref<10000x64xf32, #tpu.memory_space<hbm>> -> memref<10000x64xf32, #tpu.memory_space<hbm>>
    tpu.enqueue_indirect_dma source(%dma_start3A_23 : memref<10000x64xf32, #tpu.memory_space<hbm>>) target(%arg8 : memref<128x64xf32, #tpu.memory_space<vmem>>) offsets(%dma_start3A_20 : memref<128xi32, #tpu.memory_space<vmem>>) semaphore(%arg12 : memref<!tpu.dma_semaphore, #tpu.memory_space<semaphore_mem>>)
    %scan3A_24 = arith.constant 0 : i32
    %scan3A_25 = arith.constant 0 : i32
    %scan3A_26 = arith.constant 20 : i32
    %scan3A_27 = arith.addi %scan3A_25, %scan3A_26 : i32
    %scan3A_28 = arith.constant 1 : i32
    scf.for %scan3A_54 = %scan3A_25 to %scan3A_27 step %scan3A_28  : i32 {
      %mul3A_55 = arith.constant 2 : i32
      %mul3A_56 = arith.muli %scan3A_54, %mul3A_55 : i32
      %add3A_57 = arith.constant 1 : i32
      %add3A_58 = arith.addi %mul3A_56, %add3A_57 : i32
      %dma_start3A_59 = arith.constant 0 : i32
      %dma_start3A_60 = tpu.memref_slice %arg6[%add3A_58, %dma_start3A_59] : memref<40x128xi32, #tpu.memory_space<vmem>> -> memref<1x128xi32, #tpu.memory_space<vmem>>
      %dma_start3A_61 = tpu.memref_squeeze %dma_start3A_60 : memref<1x128xi32, #tpu.memory_space<vmem>> -> memref<128xi32, #tpu.memory_space<vmem>>
      %dma_start3A_62 = arith.constant 0 : i32
      %dma_start3A_63 = arith.constant 0 : i32
      %dma_start3A_64 = tpu.memref_slice %arg2[%dma_start3A_62, %dma_start3A_63] : memref<10000x64xf32, #tpu.memory_space<hbm>> -> memref<10000x64xf32, #tpu.memory_space<hbm>>
      tpu.enqueue_indirect_dma source(%dma_start3A_64 : memref<10000x64xf32, #tpu.memory_space<hbm>>) target(%arg9 : memref<128x64xf32, #tpu.memory_space<vmem>>) offsets(%dma_start3A_61 : memref<128xi32, #tpu.memory_space<vmem>>) semaphore(%arg13 : memref<!tpu.dma_semaphore, #tpu.memory_space<semaphore_mem>>)
      %dma_wait3A = arith.constant 0 : i32
      %dma_wait3A_65 = tpu.memref_slice %arg6[%mul3A_56, %dma_wait3A] : memref<40x128xi32, #tpu.memory_space<vmem>> -> memref<1x128xi32, #tpu.memory_space<vmem>>
      %dma_wait3A_66 = tpu.memref_squeeze %dma_wait3A_65 : memref<1x128xi32, #tpu.memory_space<vmem>> -> memref<128xi32, #tpu.memory_space<vmem>>
      %dma_wait3A_67 = arith.constant 0 : i32
      %dma_wait3A_68 = arith.constant 0 : i32
      %dma_wait3A_69 = tpu.memref_slice %arg2[%dma_wait3A_67, %dma_wait3A_68] : memref<10000x64xf32, #tpu.memory_space<hbm>> -> memref<10000x64xf32, #tpu.memory_space<hbm>>
      tpu.wait_indirect_dma semaphore(%arg12 : memref<!tpu.dma_semaphore, #tpu.memory_space<semaphore_mem>>) src(%dma_wait3A_69 : memref<10000x64xf32, #tpu.memory_space<hbm>>) dst(%arg8 : memref<128x64xf32, #tpu.memory_space<vmem>>)
      "tpu.region"() ({
        %run_scoped3A = tpu.sem_alloc : memref<!tpu.dma_semaphore, #tpu.memory_space<semaphore_mem>>
        %dma_start3A_78 = arith.constant 0 : i32
        %dma_start3A_79 = tpu.memref_slice %arg7[%mul3A_56, %dma_start3A_78] : memref<40x128xi32, #tpu.memory_space<vmem>> -> memref<1x128xi32, #tpu.memory_space<vmem>>
        %dma_start3A_80 = tpu.memref_squeeze %dma_start3A_79 : memref<1x128xi32, #tpu.memory_space<vmem>> -> memref<128xi32, #tpu.memory_space<vmem>>
        %dma_start3A_81 = arith.constant 0 : i32
        %dma_start3A_82 = arith.constant 0 : i32
        %dma_start3A_83 = tpu.memref_slice %arg11[%dma_start3A_81, %dma_start3A_82] : memref<10240x64xf32, #tpu.memory_space<vmem_shared>> -> memref<10240x64xf32, #tpu.memory_space<vmem_shared>>
        tpu.enqueue_indirect_dma source(%arg8 : memref<128x64xf32, #tpu.memory_space<vmem>>) target(%dma_start3A_83 : memref<10240x64xf32, #tpu.memory_space<vmem_shared>>) offsets(%dma_start3A_80 : memref<128xi32, #tpu.memory_space<vmem>>) semaphore(%run_scoped3A : memref<!tpu.dma_semaphore, #tpu.memory_space<semaphore_mem>>) {add = true}
        %dma_wait3A_84 = arith.constant 0 : i32
        %dma_wait3A_85 = tpu.memref_slice %arg7[%mul3A_56, %dma_wait3A_84] : memref<40x128xi32, #tpu.memory_space<vmem>> -> memref<1x128xi32, #tpu.memory_space<vmem>>
        %dma_wait3A_86 = tpu.memref_squeeze %dma_wait3A_85 : memref<1x128xi32, #tpu.memory_space<vmem>> -> memref<128xi32, #tpu.memory_space<vmem>>
        %dma_wait3A_87 = arith.constant 0 : i32
        %dma_wait3A_88 = arith.constant 0 : i32
        %dma_wait3A_89 = tpu.memref_slice %arg11[%dma_wait3A_87, %dma_wait3A_88] : memref<10240x64xf32, #tpu.memory_space<vmem_shared>> -> memref<10240x64xf32, #tpu.memory_space<vmem_shared>>
        tpu.wait_indirect_dma semaphore(%run_scoped3A : memref<!tpu.dma_semaphore, #tpu.memory_space<semaphore_mem>>) src(%arg8 : memref<128x64xf32, #tpu.memory_space<vmem>>) dst(%dma_wait3A_89 : memref<10240x64xf32, #tpu.memory_space<vmem_shared>>)
        tpu.yield
      }) : () -> ()
      %lt3A = arith.constant 19 : i32
      %lt3A_70 = arith.cmpi slt, %scan3A_54, %lt3A : i32
      %convert_element_type3A = arith.extui %lt3A_70 : i1 to i32
      %cond3A = arith.constant 0 : i32
      %cond3A_71 = arith.cmpi ne, %convert_element_type3A, %cond3A : i32
      scf.if %cond3A_71 {
        %add3A_78 = arith.constant 2 : i32
        %add3A_79 = arith.addi %mul3A_56, %add3A_78 : i32
        %dma_start3A_80 = arith.constant 0 : i32
        %dma_start3A_81 = tpu.memref_slice %arg6[%add3A_79, %dma_start3A_80] : memref<40x128xi32, #tpu.memory_space<vmem>> -> memref<1x128xi32, #tpu.memory_space<vmem>>
        %dma_start3A_82 = tpu.memref_squeeze %dma_start3A_81 : memref<1x128xi32, #tpu.memory_space<vmem>> -> memref<128xi32, #tpu.memory_space<vmem>>
        %dma_start3A_83 = arith.constant 0 : i32
        %dma_start3A_84 = arith.constant 0 : i32
        %dma_start3A_85 = tpu.memref_slice %arg2[%dma_start3A_83, %dma_start3A_84] : memref<10000x64xf32, #tpu.memory_space<hbm>> -> memref<10000x64xf32, #tpu.memory_space<hbm>>
        tpu.enqueue_indirect_dma source(%dma_start3A_85 : memref<10000x64xf32, #tpu.memory_space<hbm>>) target(%arg8 : memref<128x64xf32, #tpu.memory_space<vmem>>) offsets(%dma_start3A_82 : memref<128xi32, #tpu.memory_space<vmem>>) semaphore(%arg12 : memref<!tpu.dma_semaphore, #tpu.memory_space<semaphore_mem>>)
      } else {
      }
      %dma_wait3A_72 = arith.constant 0 : i32
      %dma_wait3A_73 = tpu.memref_slice %arg6[%add3A_58, %dma_wait3A_72] : memref<40x128xi32, #tpu.memory_space<vmem>> -> memref<1x128xi32, #tpu.memory_space<vmem>>
      %dma_wait3A_74 = tpu.memref_squeeze %dma_wait3A_73 : memref<1x128xi32, #tpu.memory_space<vmem>> -> memref<128xi32, #tpu.memory_space<vmem>>
      %dma_wait3A_75 = arith.constant 0 : i32
      %dma_wait3A_76 = arith.constant 0 : i32
      %dma_wait3A_77 = tpu.memref_slice %arg2[%dma_wait3A_75, %dma_wait3A_76] : memref<10000x64xf32, #tpu.memory_space<hbm>> -> memref<10000x64xf32, #tpu.memory_space<hbm>>
      tpu.wait_indirect_dma semaphore(%arg13 : memref<!tpu.dma_semaphore, #tpu.memory_space<semaphore_mem>>) src(%dma_wait3A_77 : memref<10000x64xf32, #tpu.memory_space<hbm>>) dst(%arg9 : memref<128x64xf32, #tpu.memory_space<vmem>>)
      "tpu.region"() ({
        %run_scoped3A = tpu.sem_alloc : memref<!tpu.dma_semaphore, #tpu.memory_space<semaphore_mem>>
        %dma_start3A_78 = arith.constant 0 : i32
        %dma_start3A_79 = tpu.memref_slice %arg7[%add3A_58, %dma_start3A_78] : memref<40x128xi32, #tpu.memory_space<vmem>> -> memref<1x128xi32, #tpu.memory_space<vmem>>
        %dma_start3A_80 = tpu.memref_squeeze %dma_start3A_79 : memref<1x128xi32, #tpu.memory_space<vmem>> -> memref<128xi32, #tpu.memory_space<vmem>>
        %dma_start3A_81 = arith.constant 0 : i32
        %dma_start3A_82 = arith.constant 0 : i32
        %dma_start3A_83 = tpu.memref_slice %arg11[%dma_start3A_81, %dma_start3A_82] : memref<10240x64xf32, #tpu.memory_space<vmem_shared>> -> memref<10240x64xf32, #tpu.memory_space<vmem_shared>>
        tpu.enqueue_indirect_dma source(%arg9 : memref<128x64xf32, #tpu.memory_space<vmem>>) target(%dma_start3A_83 : memref<10240x64xf32, #tpu.memory_space<vmem_shared>>) offsets(%dma_start3A_80 : memref<128xi32, #tpu.memory_space<vmem>>) semaphore(%run_scoped3A : memref<!tpu.dma_semaphore, #tpu.memory_space<semaphore_mem>>) {add = true}
        %dma_wait3A_84 = arith.constant 0 : i32
        %dma_wait3A_85 = tpu.memref_slice %arg7[%add3A_58, %dma_wait3A_84] : memref<40x128xi32, #tpu.memory_space<vmem>> -> memref<1x128xi32, #tpu.memory_space<vmem>>
        %dma_wait3A_86 = tpu.memref_squeeze %dma_wait3A_85 : memref<1x128xi32, #tpu.memory_space<vmem>> -> memref<128xi32, #tpu.memory_space<vmem>>
        %dma_wait3A_87 = arith.constant 0 : i32
        %dma_wait3A_88 = arith.constant 0 : i32
        %dma_wait3A_89 = tpu.memref_slice %arg11[%dma_wait3A_87, %dma_wait3A_88] : memref<10240x64xf32, #tpu.memory_space<vmem_shared>> -> memref<10240x64xf32, #tpu.memory_space<vmem_shared>>
        tpu.wait_indirect_dma semaphore(%run_scoped3A : memref<!tpu.dma_semaphore, #tpu.memory_space<semaphore_mem>>) src(%arg9 : memref<128x64xf32, #tpu.memory_space<vmem>>) dst(%dma_wait3A_89 : memref<10240x64xf32, #tpu.memory_space<vmem_shared>>)
        tpu.yield
      }) : () -> ()
    }
    %scan3A_29 = arith.constant 20 : i32
    %mul3A_30 = arith.constant 40 : i32
    %mul3A_31 = arith.muli %add3A, %mul3A_30 : i32
    %mul3A_32 = arith.constant 2 : i32
    %mul3A_33 = arith.muli %mul3A_31, %mul3A_32 : i32
    %add3A_34 = arith.constant 40 : i32
    %add3A_35 = arith.addi %mul3A_33, %add3A_34 : i32
    "tpu.region"() ({
      %run_scoped3A = tpu.sem_alloc : memref<!tpu.dma_semaphore, #tpu.memory_space<semaphore_mem>>
      %dma_start3A_54 = arith.constant 0 : i32
      %dma_start3A_55 = tpu.memref_slice %arg3[%add3A_35, %dma_start3A_54] : memref<2560x128xi32, #tpu.memory_space<hbm>> -> memref<40x128xi32, #tpu.memory_space<hbm>>
      %dma_start3A_56 = arith.constant 0 : i32
      %dma_start3A_57 = tpu.memref_slice %arg3[%add3A_35, %dma_start3A_56] : memref<2560x128xi32, #tpu.memory_space<hbm>> -> memref<40x128xi32, #tpu.memory_space<hbm>>
      tpu.enqueue_dma source(%dma_start3A_57 : memref<40x128xi32, #tpu.memory_space<hbm>>) target(%arg6 : memref<40x128xi32, #tpu.memory_space<vmem>>) target_semaphore(%run_scoped3A : memref<!tpu.dma_semaphore, #tpu.memory_space<semaphore_mem>>)
      %dma_wait3A = arith.constant 0 : i32
      %dma_wait3A_58 = tpu.memref_slice %arg3[%add3A_35, %dma_wait3A] : memref<2560x128xi32, #tpu.memory_space<hbm>> -> memref<40x128xi32, #tpu.memory_space<hbm>>
      %dma_wait3A_59 = arith.constant 0 : i32
      %dma_wait3A_60 = tpu.memref_slice %arg3[%add3A_35, %dma_wait3A_59] : memref<2560x128xi32, #tpu.memory_space<hbm>> -> memref<40x128xi32, #tpu.memory_space<hbm>>
      tpu.wait_dma2 semaphore(%run_scoped3A : memref<!tpu.dma_semaphore, #tpu.memory_space<semaphore_mem>>) src(%dma_wait3A_60 : memref<40x128xi32, #tpu.memory_space<hbm>>) dst(%arg6 : memref<40x128xi32, #tpu.memory_space<vmem>>)
      tpu.yield
    }) : () -> ()
    "tpu.region"() ({
      %run_scoped3A = tpu.sem_alloc : memref<!tpu.dma_semaphore, #tpu.memory_space<semaphore_mem>>
      %dma_start3A_54 = arith.constant 0 : i32
      %dma_start3A_55 = tpu.memref_slice %arg4[%add3A_35, %dma_start3A_54] : memref<2560x128xi32, #tpu.memory_space<hbm>> -> memref<40x128xi32, #tpu.memory_space<hbm>>
      %dma_start3A_56 = arith.constant 0 : i32
      %dma_start3A_57 = tpu.memref_slice %arg4[%add3A_35, %dma_start3A_56] : memref<2560x128xi32, #tpu.memory_space<hbm>> -> memref<40x128xi32, #tpu.memory_space<hbm>>
      tpu.enqueue_dma source(%dma_start3A_57 : memref<40x128xi32, #tpu.memory_space<hbm>>) target(%arg7 : memref<40x128xi32, #tpu.memory_space<vmem>>) target_semaphore(%run_scoped3A : memref<!tpu.dma_semaphore, #tpu.memory_space<semaphore_mem>>)
      %dma_wait3A = arith.constant 0 : i32
      %dma_wait3A_58 = tpu.memref_slice %arg4[%add3A_35, %dma_wait3A] : memref<2560x128xi32, #tpu.memory_space<hbm>> -> memref<40x128xi32, #tpu.memory_space<hbm>>
      %dma_wait3A_59 = arith.constant 0 : i32
      %dma_wait3A_60 = tpu.memref_slice %arg4[%add3A_35, %dma_wait3A_59] : memref<2560x128xi32, #tpu.memory_space<hbm>> -> memref<40x128xi32, #tpu.memory_space<hbm>>
      tpu.wait_dma2 semaphore(%run_scoped3A : memref<!tpu.dma_semaphore, #tpu.memory_space<semaphore_mem>>) src(%dma_wait3A_60 : memref<40x128xi32, #tpu.memory_space<hbm>>) dst(%arg7 : memref<40x128xi32, #tpu.memory_space<vmem>>)
      tpu.yield
    }) : () -> ()
    %dma_start3A_36 = arith.constant 0 : i32
    %dma_start3A_37 = arith.constant 0 : i32
    %dma_start3A_38 = tpu.memref_slice %arg6[%dma_start3A_36, %dma_start3A_37] : memref<40x128xi32, #tpu.memory_space<vmem>> -> memref<1x128xi32, #tpu.memory_space<vmem>>
    %dma_start3A_39 = tpu.memref_squeeze %dma_start3A_38 : memref<1x128xi32, #tpu.memory_space<vmem>> -> memref<128xi32, #tpu.memory_space<vmem>>
    %dma_start3A_40 = arith.constant 0 : i32
    %dma_start3A_41 = arith.constant 0 : i32
    %dma_start3A_42 = tpu.memref_slice %arg2[%dma_start3A_40, %dma_start3A_41] : memref<10000x64xf32, #tpu.memory_space<hbm>> -> memref<10000x64xf32, #tpu.memory_space<hbm>>
    tpu.enqueue_indirect_dma source(%dma_start3A_42 : memref<10000x64xf32, #tpu.memory_space<hbm>>) target(%arg8 : memref<128x64xf32, #tpu.memory_space<vmem>>) offsets(%dma_start3A_39 : memref<128xi32, #tpu.memory_space<vmem>>) semaphore(%arg12 : memref<!tpu.dma_semaphore, #tpu.memory_space<semaphore_mem>>)
    %scan3A_43 = arith.constant 0 : i32
    %scan3A_44 = arith.constant 0 : i32
    %scan3A_45 = arith.constant 20 : i32
    %scan3A_46 = arith.addi %scan3A_44, %scan3A_45 : i32
    %scan3A_47 = arith.constant 1 : i32
    scf.for %scan3A_54 = %scan3A_44 to %scan3A_46 step %scan3A_47  : i32 {
      %mul3A_55 = arith.constant 2 : i32
      %mul3A_56 = arith.muli %scan3A_54, %mul3A_55 : i32
      %add3A_57 = arith.constant 1 : i32
      %add3A_58 = arith.addi %mul3A_56, %add3A_57 : i32
      %dma_start3A_59 = arith.constant 0 : i32
      %dma_start3A_60 = tpu.memref_slice %arg6[%add3A_58, %dma_start3A_59] : memref<40x128xi32, #tpu.memory_space<vmem>> -> memref<1x128xi32, #tpu.memory_space<vmem>>
      %dma_start3A_61 = tpu.memref_squeeze %dma_start3A_60 : memref<1x128xi32, #tpu.memory_space<vmem>> -> memref<128xi32, #tpu.memory_space<vmem>>
      %dma_start3A_62 = arith.constant 0 : i32
      %dma_start3A_63 = arith.constant 0 : i32
      %dma_start3A_64 = tpu.memref_slice %arg2[%dma_start3A_62, %dma_start3A_63] : memref<10000x64xf32, #tpu.memory_space<hbm>> -> memref<10000x64xf32, #tpu.memory_space<hbm>>
      tpu.enqueue_indirect_dma source(%dma_start3A_64 : memref<10000x64xf32, #tpu.memory_space<hbm>>) target(%arg9 : memref<128x64xf32, #tpu.memory_space<vmem>>) offsets(%dma_start3A_61 : memref<128xi32, #tpu.memory_space<vmem>>) semaphore(%arg13 : memref<!tpu.dma_semaphore, #tpu.memory_space<semaphore_mem>>)
      %dma_wait3A = arith.constant 0 : i32
      %dma_wait3A_65 = tpu.memref_slice %arg6[%mul3A_56, %dma_wait3A] : memref<40x128xi32, #tpu.memory_space<vmem>> -> memref<1x128xi32, #tpu.memory_space<vmem>>
      %dma_wait3A_66 = tpu.memref_squeeze %dma_wait3A_65 : memref<1x128xi32, #tpu.memory_space<vmem>> -> memref<128xi32, #tpu.memory_space<vmem>>
      %dma_wait3A_67 = arith.constant 0 : i32
      %dma_wait3A_68 = arith.constant 0 : i32
      %dma_wait3A_69 = tpu.memref_slice %arg2[%dma_wait3A_67, %dma_wait3A_68] : memref<10000x64xf32, #tpu.memory_space<hbm>> -> memref<10000x64xf32, #tpu.memory_space<hbm>>
      tpu.wait_indirect_dma semaphore(%arg12 : memref<!tpu.dma_semaphore, #tpu.memory_space<semaphore_mem>>) src(%dma_wait3A_69 : memref<10000x64xf32, #tpu.memory_space<hbm>>) dst(%arg8 : memref<128x64xf32, #tpu.memory_space<vmem>>)
      "tpu.region"() ({
        %run_scoped3A = tpu.sem_alloc : memref<!tpu.dma_semaphore, #tpu.memory_space<semaphore_mem>>
        %dma_start3A_78 = arith.constant 0 : i32
        %dma_start3A_79 = tpu.memref_slice %arg7[%mul3A_56, %dma_start3A_78] : memref<40x128xi32, #tpu.memory_space<vmem>> -> memref<1x128xi32, #tpu.memory_space<vmem>>
        %dma_start3A_80 = tpu.memref_squeeze %dma_start3A_79 : memref<1x128xi32, #tpu.memory_space<vmem>> -> memref<128xi32, #tpu.memory_space<vmem>>
        %dma_start3A_81 = arith.constant 0 : i32
        %dma_start3A_82 = arith.constant 0 : i32
        %dma_start3A_83 = tpu.memref_slice %arg11[%dma_start3A_81, %dma_start3A_82] : memref<10240x64xf32, #tpu.memory_space<vmem_shared>> -> memref<10240x64xf32, #tpu.memory_space<vmem_shared>>
        tpu.enqueue_indirect_dma source(%arg8 : memref<128x64xf32, #tpu.memory_space<vmem>>) target(%dma_start3A_83 : memref<10240x64xf32, #tpu.memory_space<vmem_shared>>) offsets(%dma_start3A_80 : memref<128xi32, #tpu.memory_space<vmem>>) semaphore(%run_scoped3A : memref<!tpu.dma_semaphore, #tpu.memory_space<semaphore_mem>>) {add = true}
        %dma_wait3A_84 = arith.constant 0 : i32
        %dma_wait3A_85 = tpu.memref_slice %arg7[%mul3A_56, %dma_wait3A_84] : memref<40x128xi32, #tpu.memory_space<vmem>> -> memref<1x128xi32, #tpu.memory_space<vmem>>
        %dma_wait3A_86 = tpu.memref_squeeze %dma_wait3A_85 : memref<1x128xi32, #tpu.memory_space<vmem>> -> memref<128xi32, #tpu.memory_space<vmem>>
        %dma_wait3A_87 = arith.constant 0 : i32
        %dma_wait3A_88 = arith.constant 0 : i32
        %dma_wait3A_89 = tpu.memref_slice %arg11[%dma_wait3A_87, %dma_wait3A_88] : memref<10240x64xf32, #tpu.memory_space<vmem_shared>> -> memref<10240x64xf32, #tpu.memory_space<vmem_shared>>
        tpu.wait_indirect_dma semaphore(%run_scoped3A : memref<!tpu.dma_semaphore, #tpu.memory_space<semaphore_mem>>) src(%arg8 : memref<128x64xf32, #tpu.memory_space<vmem>>) dst(%dma_wait3A_89 : memref<10240x64xf32, #tpu.memory_space<vmem_shared>>)
        tpu.yield
      }) : () -> ()
      %lt3A = arith.constant 19 : i32
      %lt3A_70 = arith.cmpi slt, %scan3A_54, %lt3A : i32
      %convert_element_type3A = arith.extui %lt3A_70 : i1 to i32
      %cond3A = arith.constant 0 : i32
      %cond3A_71 = arith.cmpi ne, %convert_element_type3A, %cond3A : i32
      scf.if %cond3A_71 {
        %add3A_78 = arith.constant 2 : i32
        %add3A_79 = arith.addi %mul3A_56, %add3A_78 : i32
        %dma_start3A_80 = arith.constant 0 : i32
        %dma_start3A_81 = tpu.memref_slice %arg6[%add3A_79, %dma_start3A_80] : memref<40x128xi32, #tpu.memory_space<vmem>> -> memref<1x128xi32, #tpu.memory_space<vmem>>
        %dma_start3A_82 = tpu.memref_squeeze %dma_start3A_81 : memref<1x128xi32, #tpu.memory_space<vmem>> -> memref<128xi32, #tpu.memory_space<vmem>>
        %dma_start3A_83 = arith.constant 0 : i32
        %dma_start3A_84 = arith.constant 0 : i32
        %dma_start3A_85 = tpu.memref_slice %arg2[%dma_start3A_83, %dma_start3A_84] : memref<10000x64xf32, #tpu.memory_space<hbm>> -> memref<10000x64xf32, #tpu.memory_space<hbm>>
        tpu.enqueue_indirect_dma source(%dma_start3A_85 : memref<10000x64xf32, #tpu.memory_space<hbm>>) target(%arg8 : memref<128x64xf32, #tpu.memory_space<vmem>>) offsets(%dma_start3A_82 : memref<128xi32, #tpu.memory_space<vmem>>) semaphore(%arg12 : memref<!tpu.dma_semaphore, #tpu.memory_space<semaphore_mem>>)
      } else {
      }
      %dma_wait3A_72 = arith.constant 0 : i32
      %dma_wait3A_73 = tpu.memref_slice %arg6[%add3A_58, %dma_wait3A_72] : memref<40x128xi32, #tpu.memory_space<vmem>> -> memref<1x128xi32, #tpu.memory_space<vmem>>
      %dma_wait3A_74 = tpu.memref_squeeze %dma_wait3A_73 : memref<1x128xi32, #tpu.memory_space<vmem>> -> memref<128xi32, #tpu.memory_space<vmem>>
      %dma_wait3A_75 = arith.constant 0 : i32
      %dma_wait3A_76 = arith.constant 0 : i32
      %dma_wait3A_77 = tpu.memref_slice %arg2[%dma_wait3A_75, %dma_wait3A_76] : memref<10000x64xf32, #tpu.memory_space<hbm>> -> memref<10000x64xf32, #tpu.memory_space<hbm>>
      tpu.wait_indirect_dma semaphore(%arg13 : memref<!tpu.dma_semaphore, #tpu.memory_space<semaphore_mem>>) src(%dma_wait3A_77 : memref<10000x64xf32, #tpu.memory_space<hbm>>) dst(%arg9 : memref<128x64xf32, #tpu.memory_space<vmem>>)
      "tpu.region"() ({
        %run_scoped3A = tpu.sem_alloc : memref<!tpu.dma_semaphore, #tpu.memory_space<semaphore_mem>>
        %dma_start3A_78 = arith.constant 0 : i32
        %dma_start3A_79 = tpu.memref_slice %arg7[%add3A_58, %dma_start3A_78] : memref<40x128xi32, #tpu.memory_space<vmem>> -> memref<1x128xi32, #tpu.memory_space<vmem>>
        %dma_start3A_80 = tpu.memref_squeeze %dma_start3A_79 : memref<1x128xi32, #tpu.memory_space<vmem>> -> memref<128xi32, #tpu.memory_space<vmem>>
        %dma_start3A_81 = arith.constant 0 : i32
        %dma_start3A_82 = arith.constant 0 : i32
        %dma_start3A_83 = tpu.memref_slice %arg11[%dma_start3A_81, %dma_start3A_82] : memref<10240x64xf32, #tpu.memory_space<vmem_shared>> -> memref<10240x64xf32, #tpu.memory_space<vmem_shared>>
        tpu.enqueue_indirect_dma source(%arg9 : memref<128x64xf32, #tpu.memory_space<vmem>>) target(%dma_start3A_83 : memref<10240x64xf32, #tpu.memory_space<vmem_shared>>) offsets(%dma_start3A_80 : memref<128xi32, #tpu.memory_space<vmem>>) semaphore(%run_scoped3A : memref<!tpu.dma_semaphore, #tpu.memory_space<semaphore_mem>>) {add = true}
        %dma_wait3A_84 = arith.constant 0 : i32
        %dma_wait3A_85 = tpu.memref_slice %arg7[%add3A_58, %dma_wait3A_84] : memref<40x128xi32, #tpu.memory_space<vmem>> -> memref<1x128xi32, #tpu.memory_space<vmem>>
        %dma_wait3A_86 = tpu.memref_squeeze %dma_wait3A_85 : memref<1x128xi32, #tpu.memory_space<vmem>> -> memref<128xi32, #tpu.memory_space<vmem>>
        %dma_wait3A_87 = arith.constant 0 : i32
        %dma_wait3A_88 = arith.constant 0 : i32
        %dma_wait3A_89 = tpu.memref_slice %arg11[%dma_wait3A_87, %dma_wait3A_88] : memref<10240x64xf32, #tpu.memory_space<vmem_shared>> -> memref<10240x64xf32, #tpu.memory_space<vmem_shared>>
        tpu.wait_indirect_dma semaphore(%run_scoped3A : memref<!tpu.dma_semaphore, #tpu.memory_space<semaphore_mem>>) src(%arg9 : memref<128x64xf32, #tpu.memory_space<vmem>>) dst(%dma_wait3A_89 : memref<10240x64xf32, #tpu.memory_space<vmem_shared>>)
        tpu.yield
      }) : () -> ()
    }
    %scan3A_48 = arith.constant 20 : i32
    %barrier3A_49 = arith.constant 0 : index
    tpu.barrier barrier_id(%barrier3A_49)
    %mul3A_50 = arith.constant 640 : i32
    %mul3A_51 = arith.muli %arg1, %mul3A_50 : i32
    %mul3A_52 = arith.constant 640 : i32
    %mul3A_53 = arith.muli %arg1, %mul3A_52 : i32
    "tpu.region"() ({
      %run_scoped3A = tpu.sem_alloc : memref<!tpu.dma_semaphore, #tpu.memory_space<semaphore_mem>>
      %dma_start3A_54 = arith.constant 0 : i32
      %dma_start3A_55 = tpu.memref_slice %arg5[%arg0, %mul3A_53, %dma_start3A_54] : memref<2x10240x64xf32, #tpu.memory_space<hbm>> -> memref<1x640x64xf32, #tpu.memory_space<hbm>>
      %dma_start3A_56 = tpu.memref_squeeze %dma_start3A_55 : memref<1x640x64xf32, #tpu.memory_space<hbm>> -> memref<640x64xf32, #tpu.memory_space<hbm>>
      %dma_start3A_57 = arith.constant 0 : i32
      %dma_start3A_58 = tpu.memref_slice %arg11[%mul3A_51, %dma_start3A_57] : memref<10240x64xf32, #tpu.memory_space<vmem_shared>> -> memref<640x64xf32, #tpu.memory_space<vmem_shared>>
      tpu.enqueue_dma source(%dma_start3A_58 : memref<640x64xf32, #tpu.memory_space<vmem_shared>>) target(%dma_start3A_56 : memref<640x64xf32, #tpu.memory_space<hbm>>) target_semaphore(%run_scoped3A : memref<!tpu.dma_semaphore, #tpu.memory_space<semaphore_mem>>)
      %dma_wait3A = arith.constant 0 : i32
      %dma_wait3A_59 = tpu.memref_slice %arg5[%arg0, %mul3A_53, %dma_wait3A] : memref<2x10240x64xf32, #tpu.memory_space<hbm>> -> memref<1x640x64xf32, #tpu.memory_space<hbm>>
      %dma_wait3A_60 = tpu.memref_squeeze %dma_wait3A_59 : memref<1x640x64xf32, #tpu.memory_space<hbm>> -> memref<640x64xf32, #tpu.memory_space<hbm>>
      %dma_wait3A_61 = arith.constant 0 : i32
      %dma_wait3A_62 = tpu.memref_slice %arg11[%mul3A_51, %dma_wait3A_61] : memref<10240x64xf32, #tpu.memory_space<vmem_shared>> -> memref<640x64xf32, #tpu.memory_space<vmem_shared>>
      tpu.wait_dma2 semaphore(%run_scoped3A : memref<!tpu.dma_semaphore, #tpu.memory_space<semaphore_mem>>) src(%dma_wait3A_62 : memref<640x64xf32, #tpu.memory_space<vmem_shared>>) dst(%dma_wait3A_60 : memref<640x64xf32, #tpu.memory_space<hbm>>)
      tpu.yield
    }) : () -> ()
    return
  }
}

#map = affine_map<(d0, d1) -> (0, 0)>
#map1 = affine_map<(d0, d1) -> (0, 0, 0)>
module attributes {stable_mosaic.version = 14 : i64} {
  func.func @body(%arg0: i32, %arg1: i32, %arg2: memref<10000x128xf32, #tpu.memory_space<hbm>>, %arg3: memref<2560x128xi32, #tpu.memory_space<hbm>>, %arg4: memref<2560x128xi32, #tpu.memory_space<hbm>>, %arg5: memref<2x10240x128xf32, #tpu.memory_space<hbm>>, %arg6: memref<2x10240xf32, #tpu.memory_space<hbm>>, %arg7: memref<40x128xi32, #tpu.memory_space<vmem>>, %arg8: memref<40x128xi32, #tpu.memory_space<vmem>>, %arg9: memref<128x128xf32, #tpu.memory_space<vmem>>, %arg10: memref<128x128xf32, #tpu.memory_space<vmem>>, %arg11: memref<16x128xf32, #tpu.memory_space<vmem>>, %arg12: memref<10240x128xf32, #tpu.memory_space<vmem_shared>>, %arg13: memref<!tpu.dma_semaphore, #tpu.memory_space<semaphore_mem>>, %arg14: memref<!tpu.dma_semaphore, #tpu.memory_space<semaphore_mem>>, %arg15: memref<128xf32, #tpu.memory_space<vmem>>, %arg16: memref<2048xf32, #tpu.memory_space<vmem>>, %arg17: memref<10240xf32, #tpu.memory_space<vmem_shared>>, %arg18: memref<!tpu.dma_semaphore, #tpu.memory_space<semaphore_mem>>, %arg19: memref<!tpu.dma_semaphore, #tpu.memory_space<semaphore_mem>>) attributes {dimension_semantics = [#tpu.dimension_semantics<core_parallel>, #tpu.dimension_semantics<subcore_parallel>], iteration_bounds = array<i64: 2, 16>, scalar_prefetch = 0 : i64, scratch_operands = 13 : i64, tpu.core_type = #tpu.core_type<sc_vector_subcore>, window_params = [{transform_indices = #map}, {transform_indices = #map}, {transform_indices = #map}, {transform_indices = #map1}, {transform_indices = #map}]} {
    %mul3A = arith.constant 16 : i32
    %mul3A_0 = arith.muli %arg0, %mul3A : i32
    %add3A = arith.addi %mul3A_0, %arg1 : i32
    %scan3A = arith.constant 0 : i32
    %scan3A_1 = arith.constant 0 : i32
    %scan3A_2 = arith.constant 16 : i32
    %scan3A_3 = arith.addi %scan3A_1, %scan3A_2 : i32
    %scan3A_4 = arith.constant 1 : i32
    scf.for %scan3A_96 = %scan3A_1 to %scan3A_3 step %scan3A_4  : i32 {
      %scan3A_97 = arith.constant 0 : i32
      %scan3A_98 = arith.constant 8 : i32
      %scan3A_99 = arith.addi %scan3A_97, %scan3A_98 : i32
      %scan3A_100 = arith.constant 1 : i32
      scf.for %scan3A_102 = %scan3A_97 to %scan3A_99 step %scan3A_100  : i32 {
        %broadcast_in_dim3A = arith.constant 0.000000e+00 : f32
        %broadcast_in_dim3A_103 = vector.broadcast %broadcast_in_dim3A : f32 to vector<16xf32>
        %mul3A_104 = arith.constant 16 : i32
        %mul3A_105 = arith.muli %scan3A_102, %mul3A_104 : i32
        %swap3A = arith.index_cast %scan3A_96 : i32 to index
        %swap3A_106 = arith.index_cast %mul3A_105 : i32 to index
        %swap3A_107 = tpu.vector_load %arg11[%swap3A, %swap3A_106] {strides = array<i32>} : memref<16x128xf32, #tpu.memory_space<vmem>>, vector<1x16xf32>,
        %swap3A_108 = vector.shape_cast %swap3A_107 : vector<1x16xf32> to vector<16xf32>
        %swap3A_109 = vector.shape_cast %broadcast_in_dim3A_103 : vector<16xf32> to vector<1x16xf32>
        tpu.vector_store %arg11[%swap3A, %swap3A_106], %swap3A_109 {strides = array<i32>} : memref<16x128xf32, #tpu.memory_space<vmem>>, vector<1x16xf32>,
      }
      %scan3A_101 = arith.constant 8 : i32
    }
    %scan3A_5 = arith.constant 16 : i32
    %scan3A_6 = arith.constant 0 : i32
    %scan3A_7 = arith.constant 0 : i32
    %scan3A_8 = arith.constant 40 : i32
    %scan3A_9 = arith.addi %scan3A_7, %scan3A_8 : i32
    %scan3A_10 = arith.constant 1 : i32
    scf.for %scan3A_96 = %scan3A_7 to %scan3A_9 step %scan3A_10  : i32 {
      %mul3A_97 = arith.constant 640 : i32
      %mul3A_98 = arith.muli %arg1, %mul3A_97 : i32
      %mul3A_99 = arith.constant 16 : i32
      %mul3A_100 = arith.muli %scan3A_96, %mul3A_99 : i32
      %add3A_101 = arith.addi %mul3A_98, %mul3A_100 : i32
      "tpu.region"() ({
        %run_scoped3A = tpu.sem_alloc : memref<!tpu.dma_semaphore, #tpu.memory_space<semaphore_mem>>
        %dma_start3A_102 = arith.constant 0 : i32
        %dma_start3A_103 = tpu.memref_slice %arg12[%add3A_101, %dma_start3A_102] : memref<10240x128xf32, #tpu.memory_space<vmem_shared>> -> memref<16x128xf32, #tpu.memory_space<vmem_shared>>
        %dma_start3A_104 = arith.constant 0 : i32
        %dma_start3A_105 = tpu.memref_slice %arg12[%add3A_101, %dma_start3A_104] : memref<10240x128xf32, #tpu.memory_space<vmem_shared>> -> memref<16x128xf32, #tpu.memory_space<vmem_shared>>
        tpu.enqueue_dma source(%arg11 : memref<16x128xf32, #tpu.memory_space<vmem>>) target(%dma_start3A_105 : memref<16x128xf32, #tpu.memory_space<vmem_shared>>) target_semaphore(%run_scoped3A : memref<!tpu.dma_semaphore, #tpu.memory_space<semaphore_mem>>)
        %dma_wait3A_106 = arith.constant 0 : i32
        %dma_wait3A_107 = tpu.memref_slice %arg12[%add3A_101, %dma_wait3A_106] : memref<10240x128xf32, #tpu.memory_space<vmem_shared>> -> memref<16x128xf32, #tpu.memory_space<vmem_shared>>
        %dma_wait3A_108 = arith.constant 0 : i32
        %dma_wait3A_109 = tpu.memref_slice %arg12[%add3A_101, %dma_wait3A_108] : memref<10240x128xf32, #tpu.memory_space<vmem_shared>> -> memref<16x128xf32, #tpu.memory_space<vmem_shared>>
        tpu.wait_dma2 semaphore(%run_scoped3A : memref<!tpu.dma_semaphore, #tpu.memory_space<semaphore_mem>>) src(%arg11 : memref<16x128xf32, #tpu.memory_space<vmem>>) dst(%dma_wait3A_109 : memref<16x128xf32, #tpu.memory_space<vmem_shared>>)
        tpu.yield
      }) : () -> ()
    }
    %scan3A_11 = arith.constant 40 : i32
    %scan3A_12 = arith.constant 0 : i32
    %scan3A_13 = arith.constant 0 : i32
    %scan3A_14 = arith.constant 8 : i32
    %scan3A_15 = arith.addi %scan3A_13, %scan3A_14 : i32
    %scan3A_16 = arith.constant 1 : i32
    scf.for %scan3A_96 = %scan3A_13 to %scan3A_15 step %scan3A_16  : i32 {
      %broadcast_in_dim3A = arith.constant 1.000000e+00 : f32
      %broadcast_in_dim3A_97 = vector.broadcast %broadcast_in_dim3A : f32 to vector<16xf32>
      %mul3A_98 = arith.constant 16 : i32
      %mul3A_99 = arith.muli %scan3A_96, %mul3A_98 : i32
      %swap3A = arith.index_cast %mul3A_99 : i32 to index
      %swap3A_100 = tpu.vector_load %arg15[%swap3A] {strides = array<i32>} : memref<128xf32, #tpu.memory_space<vmem>>, vector<16xf32>,
      %swap3A_101 = vector.shape_cast %swap3A_100 : vector<16xf32> to vector<16xf32>
      %swap3A_102 = vector.shape_cast %broadcast_in_dim3A_97 : vector<16xf32> to vector<16xf32>
      tpu.vector_store %arg15[%swap3A], %swap3A_102 {strides = array<i32>} : memref<128xf32, #tpu.memory_space<vmem>>, vector<16xf32>,
    }
    %scan3A_17 = arith.constant 8 : i32
    %scan3A_18 = arith.constant 0 : i32
    %scan3A_19 = arith.constant 0 : i32
    %scan3A_20 = arith.constant 128 : i32
    %scan3A_21 = arith.addi %scan3A_19, %scan3A_20 : i32
    %scan3A_22 = arith.constant 1 : i32
    scf.for %scan3A_96 = %scan3A_19 to %scan3A_21 step %scan3A_22  : i32 {
      %broadcast_in_dim3A = arith.constant 0.000000e+00 : f32
      %broadcast_in_dim3A_97 = vector.broadcast %broadcast_in_dim3A : f32 to vector<16xf32>
      %mul3A_98 = arith.constant 16 : i32
      %mul3A_99 = arith.muli %scan3A_96, %mul3A_98 : i32
      %swap3A = arith.index_cast %mul3A_99 : i32 to index
      %swap3A_100 = tpu.vector_load %arg16[%swap3A] {strides = array<i32>} : memref<2048xf32, #tpu.memory_space<vmem>>, vector<16xf32>,
      %swap3A_101 = vector.shape_cast %swap3A_100 : vector<16xf32> to vector<16xf32>
      %swap3A_102 = vector.shape_cast %broadcast_in_dim3A_97 : vector<16xf32> to vector<16xf32>
      tpu.vector_store %arg16[%swap3A], %swap3A_102 {strides = array<i32>} : memref<2048xf32, #tpu.memory_space<vmem>>, vector<16xf32>,
    }
    %scan3A_23 = arith.constant 128 : i32
    %eq3A = arith.constant 0 : i32
    %eq3A_24 = arith.cmpi eq, %arg1, %eq3A : i32
    %convert_element_type3A = arith.extui %eq3A_24 : i1 to i32
    %cond3A = arith.constant 0 : i32
    %cond3A_25 = arith.cmpi ne, %convert_element_type3A, %cond3A : i32
    scf.if %cond3A_25 {
      "tpu.region"() ({
        %run_scoped3A = tpu.sem_alloc : memref<!tpu.dma_semaphore, #tpu.memory_space<semaphore_mem>>
        %dma_start3A_96 = arith.constant 0 : i32
        %dma_start3A_97 = tpu.memref_slice %arg17[%dma_start3A_96] : memref<10240xf32, #tpu.memory_space<vmem_shared>> -> memref<2048xf32, #tpu.memory_space<vmem_shared>>
        %dma_start3A_98 = arith.constant 0 : i32
        %dma_start3A_99 = tpu.memref_slice %arg17[%dma_start3A_98] : memref<10240xf32, #tpu.memory_space<vmem_shared>> -> memref<2048xf32, #tpu.memory_space<vmem_shared>>
        tpu.enqueue_dma source(%arg16 : memref<2048xf32, #tpu.memory_space<vmem>>) target(%dma_start3A_99 : memref<2048xf32, #tpu.memory_space<vmem_shared>>) target_semaphore(%run_scoped3A : memref<!tpu.dma_semaphore, #tpu.memory_space<semaphore_mem>>)
        %dma_wait3A_100 = arith.constant 0 : i32
        %dma_wait3A_101 = tpu.memref_slice %arg17[%dma_wait3A_100] : memref<10240xf32, #tpu.memory_space<vmem_shared>> -> memref<2048xf32, #tpu.memory_space<vmem_shared>>
        %dma_wait3A_102 = arith.constant 0 : i32
        %dma_wait3A_103 = tpu.memref_slice %arg17[%dma_wait3A_102] : memref<10240xf32, #tpu.memory_space<vmem_shared>> -> memref<2048xf32, #tpu.memory_space<vmem_shared>>
        tpu.wait_dma2 semaphore(%run_scoped3A : memref<!tpu.dma_semaphore, #tpu.memory_space<semaphore_mem>>) src(%arg16 : memref<2048xf32, #tpu.memory_space<vmem>>) dst(%dma_wait3A_103 : memref<2048xf32, #tpu.memory_space<vmem_shared>>)
        tpu.yield
      }) : () -> ()
      "tpu.region"() ({
        %run_scoped3A = tpu.sem_alloc : memref<!tpu.dma_semaphore, #tpu.memory_space<semaphore_mem>>
        %dma_start3A_96 = arith.constant 2048 : i32
        %dma_start3A_97 = tpu.memref_slice %arg17[%dma_start3A_96] : memref<10240xf32, #tpu.memory_space<vmem_shared>> -> memref<2048xf32, #tpu.memory_space<vmem_shared>>
        %dma_start3A_98 = arith.constant 2048 : i32
        %dma_start3A_99 = tpu.memref_slice %arg17[%dma_start3A_98] : memref<10240xf32, #tpu.memory_space<vmem_shared>> -> memref<2048xf32, #tpu.memory_space<vmem_shared>>
        tpu.enqueue_dma source(%arg16 : memref<2048xf32, #tpu.memory_space<vmem>>) target(%dma_start3A_99 : memref<2048xf32, #tpu.memory_space<vmem_shared>>) target_semaphore(%run_scoped3A : memref<!tpu.dma_semaphore, #tpu.memory_space<semaphore_mem>>)
        %dma_wait3A_100 = arith.constant 2048 : i32
        %dma_wait3A_101 = tpu.memref_slice %arg17[%dma_wait3A_100] : memref<10240xf32, #tpu.memory_space<vmem_shared>> -> memref<2048xf32, #tpu.memory_space<vmem_shared>>
        %dma_wait3A_102 = arith.constant 2048 : i32
        %dma_wait3A_103 = tpu.memref_slice %arg17[%dma_wait3A_102] : memref<10240xf32, #tpu.memory_space<vmem_shared>> -> memref<2048xf32, #tpu.memory_space<vmem_shared>>
        tpu.wait_dma2 semaphore(%run_scoped3A : memref<!tpu.dma_semaphore, #tpu.memory_space<semaphore_mem>>) src(%arg16 : memref<2048xf32, #tpu.memory_space<vmem>>) dst(%dma_wait3A_103 : memref<2048xf32, #tpu.memory_space<vmem_shared>>)
        tpu.yield
      }) : () -> ()
      "tpu.region"() ({
        %run_scoped3A = tpu.sem_alloc : memref<!tpu.dma_semaphore, #tpu.memory_space<semaphore_mem>>
        %dma_start3A_96 = arith.constant 4096 : i32
        %dma_start3A_97 = tpu.memref_slice %arg17[%dma_start3A_96] : memref<10240xf32, #tpu.memory_space<vmem_shared>> -> memref<2048xf32, #tpu.memory_space<vmem_shared>>
        %dma_start3A_98 = arith.constant 4096 : i32
        %dma_start3A_99 = tpu.memref_slice %arg17[%dma_start3A_98] : memref<10240xf32, #tpu.memory_space<vmem_shared>> -> memref<2048xf32, #tpu.memory_space<vmem_shared>>
        tpu.enqueue_dma source(%arg16 : memref<2048xf32, #tpu.memory_space<vmem>>) target(%dma_start3A_99 : memref<2048xf32, #tpu.memory_space<vmem_shared>>) target_semaphore(%run_scoped3A : memref<!tpu.dma_semaphore, #tpu.memory_space<semaphore_mem>>)
        %dma_wait3A_100 = arith.constant 4096 : i32
        %dma_wait3A_101 = tpu.memref_slice %arg17[%dma_wait3A_100] : memref<10240xf32, #tpu.memory_space<vmem_shared>> -> memref<2048xf32, #tpu.memory_space<vmem_shared>>
        %dma_wait3A_102 = arith.constant 4096 : i32
        %dma_wait3A_103 = tpu.memref_slice %arg17[%dma_wait3A_102] : memref<10240xf32, #tpu.memory_space<vmem_shared>> -> memref<2048xf32, #tpu.memory_space<vmem_shared>>
        tpu.wait_dma2 semaphore(%run_scoped3A : memref<!tpu.dma_semaphore, #tpu.memory_space<semaphore_mem>>) src(%arg16 : memref<2048xf32, #tpu.memory_space<vmem>>) dst(%dma_wait3A_103 : memref<2048xf32, #tpu.memory_space<vmem_shared>>)
        tpu.yield
      }) : () -> ()
      "tpu.region"() ({
        %run_scoped3A = tpu.sem_alloc : memref<!tpu.dma_semaphore, #tpu.memory_space<semaphore_mem>>
        %dma_start3A_96 = arith.constant 6144 : i32
        %dma_start3A_97 = tpu.memref_slice %arg17[%dma_start3A_96] : memref<10240xf32, #tpu.memory_space<vmem_shared>> -> memref<2048xf32, #tpu.memory_space<vmem_shared>>
        %dma_start3A_98 = arith.constant 6144 : i32
        %dma_start3A_99 = tpu.memref_slice %arg17[%dma_start3A_98] : memref<10240xf32, #tpu.memory_space<vmem_shared>> -> memref<2048xf32, #tpu.memory_space<vmem_shared>>
        tpu.enqueue_dma source(%arg16 : memref<2048xf32, #tpu.memory_space<vmem>>) target(%dma_start3A_99 : memref<2048xf32, #tpu.memory_space<vmem_shared>>) target_semaphore(%run_scoped3A : memref<!tpu.dma_semaphore, #tpu.memory_space<semaphore_mem>>)
        %dma_wait3A_100 = arith.constant 6144 : i32
        %dma_wait3A_101 = tpu.memref_slice %arg17[%dma_wait3A_100] : memref<10240xf32, #tpu.memory_space<vmem_shared>> -> memref<2048xf32, #tpu.memory_space<vmem_shared>>
        %dma_wait3A_102 = arith.constant 6144 : i32
        %dma_wait3A_103 = tpu.memref_slice %arg17[%dma_wait3A_102] : memref<10240xf32, #tpu.memory_space<vmem_shared>> -> memref<2048xf32, #tpu.memory_space<vmem_shared>>
        tpu.wait_dma2 semaphore(%run_scoped3A : memref<!tpu.dma_semaphore, #tpu.memory_space<semaphore_mem>>) src(%arg16 : memref<2048xf32, #tpu.memory_space<vmem>>) dst(%dma_wait3A_103 : memref<2048xf32, #tpu.memory_space<vmem_shared>>)
        tpu.yield
      }) : () -> ()
      "tpu.region"() ({
        %run_scoped3A = tpu.sem_alloc : memref<!tpu.dma_semaphore, #tpu.memory_space<semaphore_mem>>
        %dma_start3A_96 = arith.constant 8192 : i32
        %dma_start3A_97 = tpu.memref_slice %arg17[%dma_start3A_96] : memref<10240xf32, #tpu.memory_space<vmem_shared>> -> memref<2048xf32, #tpu.memory_space<vmem_shared>>
        %dma_start3A_98 = arith.constant 8192 : i32
        %dma_start3A_99 = tpu.memref_slice %arg17[%dma_start3A_98] : memref<10240xf32, #tpu.memory_space<vmem_shared>> -> memref<2048xf32, #tpu.memory_space<vmem_shared>>
        tpu.enqueue_dma source(%arg16 : memref<2048xf32, #tpu.memory_space<vmem>>) target(%dma_start3A_99 : memref<2048xf32, #tpu.memory_space<vmem_shared>>) target_semaphore(%run_scoped3A : memref<!tpu.dma_semaphore, #tpu.memory_space<semaphore_mem>>)
        %dma_wait3A_100 = arith.constant 8192 : i32
        %dma_wait3A_101 = tpu.memref_slice %arg17[%dma_wait3A_100] : memref<10240xf32, #tpu.memory_space<vmem_shared>> -> memref<2048xf32, #tpu.memory_space<vmem_shared>>
        %dma_wait3A_102 = arith.constant 8192 : i32
        %dma_wait3A_103 = tpu.memref_slice %arg17[%dma_wait3A_102] : memref<10240xf32, #tpu.memory_space<vmem_shared>> -> memref<2048xf32, #tpu.memory_space<vmem_shared>>
        tpu.wait_dma2 semaphore(%run_scoped3A : memref<!tpu.dma_semaphore, #tpu.memory_space<semaphore_mem>>) src(%arg16 : memref<2048xf32, #tpu.memory_space<vmem>>) dst(%dma_wait3A_103 : memref<2048xf32, #tpu.memory_space<vmem_shared>>)
        tpu.yield
      }) : () -> ()
    } else {
    }
    %barrier3A = arith.constant 0 : index
    tpu.barrier barrier_id(%barrier3A)
    %mul3A_26 = arith.constant 40 : i32
    %mul3A_27 = arith.muli %add3A, %mul3A_26 : i32
    %mul3A_28 = arith.constant 2 : i32
    %mul3A_29 = arith.muli %mul3A_27, %mul3A_28 : i32
    %add3A_30 = arith.constant 0 : i32
    %add3A_31 = arith.addi %mul3A_29, %add3A_30 : i32
    "tpu.region"() ({
      %run_scoped3A = tpu.sem_alloc : memref<!tpu.dma_semaphore, #tpu.memory_space<semaphore_mem>>
      %dma_start3A_96 = arith.constant 0 : i32
      %dma_start3A_97 = tpu.memref_slice %arg3[%add3A_31, %dma_start3A_96] : memref<2560x128xi32, #tpu.memory_space<hbm>> -> memref<40x128xi32, #tpu.memory_space<hbm>>
      %dma_start3A_98 = arith.constant 0 : i32
      %dma_start3A_99 = tpu.memref_slice %arg3[%add3A_31, %dma_start3A_98] : memref<2560x128xi32, #tpu.memory_space<hbm>> -> memref<40x128xi32, #tpu.memory_space<hbm>>
      tpu.enqueue_dma source(%dma_start3A_99 : memref<40x128xi32, #tpu.memory_space<hbm>>) target(%arg7 : memref<40x128xi32, #tpu.memory_space<vmem>>) target_semaphore(%run_scoped3A : memref<!tpu.dma_semaphore, #tpu.memory_space<semaphore_mem>>)
      %dma_wait3A_100 = arith.constant 0 : i32
      %dma_wait3A_101 = tpu.memref_slice %arg3[%add3A_31, %dma_wait3A_100] : memref<2560x128xi32, #tpu.memory_space<hbm>> -> memref<40x128xi32, #tpu.memory_space<hbm>>
      %dma_wait3A_102 = arith.constant 0 : i32
      %dma_wait3A_103 = tpu.memref_slice %arg3[%add3A_31, %dma_wait3A_102] : memref<2560x128xi32, #tpu.memory_space<hbm>> -> memref<40x128xi32, #tpu.memory_space<hbm>>
      tpu.wait_dma2 semaphore(%run_scoped3A : memref<!tpu.dma_semaphore, #tpu.memory_space<semaphore_mem>>) src(%dma_wait3A_103 : memref<40x128xi32, #tpu.memory_space<hbm>>) dst(%arg7 : memref<40x128xi32, #tpu.memory_space<vmem>>)
      tpu.yield
    }) : () -> ()
    "tpu.region"() ({
      %run_scoped3A = tpu.sem_alloc : memref<!tpu.dma_semaphore, #tpu.memory_space<semaphore_mem>>
      %dma_start3A_96 = arith.constant 0 : i32
      %dma_start3A_97 = tpu.memref_slice %arg4[%add3A_31, %dma_start3A_96] : memref<2560x128xi32, #tpu.memory_space<hbm>> -> memref<40x128xi32, #tpu.memory_space<hbm>>
      %dma_start3A_98 = arith.constant 0 : i32
      %dma_start3A_99 = tpu.memref_slice %arg4[%add3A_31, %dma_start3A_98] : memref<2560x128xi32, #tpu.memory_space<hbm>> -> memref<40x128xi32, #tpu.memory_space<hbm>>
      tpu.enqueue_dma source(%dma_start3A_99 : memref<40x128xi32, #tpu.memory_space<hbm>>) target(%arg8 : memref<40x128xi32, #tpu.memory_space<vmem>>) target_semaphore(%run_scoped3A : memref<!tpu.dma_semaphore, #tpu.memory_space<semaphore_mem>>)
      %dma_wait3A_100 = arith.constant 0 : i32
      %dma_wait3A_101 = tpu.memref_slice %arg4[%add3A_31, %dma_wait3A_100] : memref<2560x128xi32, #tpu.memory_space<hbm>> -> memref<40x128xi32, #tpu.memory_space<hbm>>
      %dma_wait3A_102 = arith.constant 0 : i32
      %dma_wait3A_103 = tpu.memref_slice %arg4[%add3A_31, %dma_wait3A_102] : memref<2560x128xi32, #tpu.memory_space<hbm>> -> memref<40x128xi32, #tpu.memory_space<hbm>>
      tpu.wait_dma2 semaphore(%run_scoped3A : memref<!tpu.dma_semaphore, #tpu.memory_space<semaphore_mem>>) src(%dma_wait3A_103 : memref<40x128xi32, #tpu.memory_space<hbm>>) dst(%arg8 : memref<40x128xi32, #tpu.memory_space<vmem>>)
      tpu.yield
    }) : () -> ()
    %dma_start3A = arith.constant 0 : i32
    %dma_start3A_32 = arith.constant 0 : i32
    %dma_start3A_33 = tpu.memref_slice %arg7[%dma_start3A, %dma_start3A_32] : memref<40x128xi32, #tpu.memory_space<vmem>> -> memref<1x128xi32, #tpu.memory_space<vmem>>
    %dma_start3A_34 = tpu.memref_squeeze %dma_start3A_33 : memref<1x128xi32, #tpu.memory_space<vmem>> -> memref<128xi32, #tpu.memory_space<vmem>>
    %dma_start3A_35 = arith.constant 0 : i32
    %dma_start3A_36 = arith.constant 0 : i32
    %dma_start3A_37 = tpu.memref_slice %arg2[%dma_start3A_35, %dma_start3A_36] : memref<10000x128xf32, #tpu.memory_space<hbm>> -> memref<10000x128xf32, #tpu.memory_space<hbm>>
    tpu.enqueue_indirect_dma source(%dma_start3A_37 : memref<10000x128xf32, #tpu.memory_space<hbm>>) target(%arg9 : memref<128x128xf32, #tpu.memory_space<vmem>>) offsets(%dma_start3A_34 : memref<128xi32, #tpu.memory_space<vmem>>) semaphore(%arg13 : memref<!tpu.dma_semaphore, #tpu.memory_space<semaphore_mem>>)
    %scan3A_38 = arith.constant 0 : i32
    %scan3A_39 = arith.constant 0 : i32
    %scan3A_40 = arith.constant 20 : i32
    %scan3A_41 = arith.addi %scan3A_39, %scan3A_40 : i32
    %scan3A_42 = arith.constant 1 : i32
    scf.for %scan3A_96 = %scan3A_39 to %scan3A_41 step %scan3A_42  : i32 {
      %mul3A_97 = arith.constant 2 : i32
      %mul3A_98 = arith.muli %scan3A_96, %mul3A_97 : i32
      %add3A_99 = arith.constant 1 : i32
      %add3A_100 = arith.addi %mul3A_98, %add3A_99 : i32
      %dma_start3A_101 = arith.constant 0 : i32
      %dma_start3A_102 = tpu.memref_slice %arg7[%add3A_100, %dma_start3A_101] : memref<40x128xi32, #tpu.memory_space<vmem>> -> memref<1x128xi32, #tpu.memory_space<vmem>>
      %dma_start3A_103 = tpu.memref_squeeze %dma_start3A_102 : memref<1x128xi32, #tpu.memory_space<vmem>> -> memref<128xi32, #tpu.memory_space<vmem>>
      %dma_start3A_104 = arith.constant 0 : i32
      %dma_start3A_105 = arith.constant 0 : i32
      %dma_start3A_106 = tpu.memref_slice %arg2[%dma_start3A_104, %dma_start3A_105] : memref<10000x128xf32, #tpu.memory_space<hbm>> -> memref<10000x128xf32, #tpu.memory_space<hbm>>
      tpu.enqueue_indirect_dma source(%dma_start3A_106 : memref<10000x128xf32, #tpu.memory_space<hbm>>) target(%arg10 : memref<128x128xf32, #tpu.memory_space<vmem>>) offsets(%dma_start3A_103 : memref<128xi32, #tpu.memory_space<vmem>>) semaphore(%arg14 : memref<!tpu.dma_semaphore, #tpu.memory_space<semaphore_mem>>)
      %dma_wait3A_107 = arith.constant 0 : i32
      %dma_wait3A_108 = tpu.memref_slice %arg7[%mul3A_98, %dma_wait3A_107] : memref<40x128xi32, #tpu.memory_space<vmem>> -> memref<1x128xi32, #tpu.memory_space<vmem>>
      %dma_wait3A_109 = tpu.memref_squeeze %dma_wait3A_108 : memref<1x128xi32, #tpu.memory_space<vmem>> -> memref<128xi32, #tpu.memory_space<vmem>>
      %dma_wait3A_110 = arith.constant 0 : i32
      %dma_wait3A_111 = arith.constant 0 : i32
      %dma_wait3A_112 = tpu.memref_slice %arg2[%dma_wait3A_110, %dma_wait3A_111] : memref<10000x128xf32, #tpu.memory_space<hbm>> -> memref<10000x128xf32, #tpu.memory_space<hbm>>
      tpu.wait_indirect_dma semaphore(%arg13 : memref<!tpu.dma_semaphore, #tpu.memory_space<semaphore_mem>>) src(%dma_wait3A_112 : memref<10000x128xf32, #tpu.memory_space<hbm>>) dst(%arg9 : memref<128x128xf32, #tpu.memory_space<vmem>>)
      "tpu.region"() ({
        %run_scoped3A = tpu.sem_alloc : memref<!tpu.dma_semaphore, #tpu.memory_space<semaphore_mem>>
        %dma_start3A_142 = arith.constant 0 : i32
        %dma_start3A_143 = tpu.memref_slice %arg8[%mul3A_98, %dma_start3A_142] : memref<40x128xi32, #tpu.memory_space<vmem>> -> memref<1x128xi32, #tpu.memory_space<vmem>>
        %dma_start3A_144 = tpu.memref_squeeze %dma_start3A_143 : memref<1x128xi32, #tpu.memory_space<vmem>> -> memref<128xi32, #tpu.memory_space<vmem>>
        %dma_start3A_145 = arith.constant 0 : i32
        %dma_start3A_146 = arith.constant 0 : i32
        %dma_start3A_147 = tpu.memref_slice %arg12[%dma_start3A_145, %dma_start3A_146] : memref<10240x128xf32, #tpu.memory_space<vmem_shared>> -> memref<10240x128xf32, #tpu.memory_space<vmem_shared>>
        tpu.enqueue_indirect_dma source(%arg9 : memref<128x128xf32, #tpu.memory_space<vmem>>) target(%dma_start3A_147 : memref<10240x128xf32, #tpu.memory_space<vmem_shared>>) offsets(%dma_start3A_144 : memref<128xi32, #tpu.memory_space<vmem>>) semaphore(%run_scoped3A : memref<!tpu.dma_semaphore, #tpu.memory_space<semaphore_mem>>) {add = true}
        %dma_wait3A_148 = arith.constant 0 : i32
        %dma_wait3A_149 = tpu.memref_slice %arg8[%mul3A_98, %dma_wait3A_148] : memref<40x128xi32, #tpu.memory_space<vmem>> -> memref<1x128xi32, #tpu.memory_space<vmem>>
        %dma_wait3A_150 = tpu.memref_squeeze %dma_wait3A_149 : memref<1x128xi32, #tpu.memory_space<vmem>> -> memref<128xi32, #tpu.memory_space<vmem>>
        %dma_wait3A_151 = arith.constant 0 : i32
        %dma_wait3A_152 = arith.constant 0 : i32
        %dma_wait3A_153 = tpu.memref_slice %arg12[%dma_wait3A_151, %dma_wait3A_152] : memref<10240x128xf32, #tpu.memory_space<vmem_shared>> -> memref<10240x128xf32, #tpu.memory_space<vmem_shared>>
        tpu.wait_indirect_dma semaphore(%run_scoped3A : memref<!tpu.dma_semaphore, #tpu.memory_space<semaphore_mem>>) src(%arg9 : memref<128x128xf32, #tpu.memory_space<vmem>>) dst(%dma_wait3A_153 : memref<10240x128xf32, #tpu.memory_space<vmem_shared>>)
        tpu.yield
      }) : () -> ()
      %ge3A = arith.constant 1 : i32
      %ge3A_113 = arith.cmpi sge, %scan3A_96, %ge3A : i32
      %convert_element_type3A_114 = arith.extui %ge3A_113 : i1 to i32
      %cond3A_115 = arith.constant 0 : i32
      %cond3A_116 = arith.cmpi ne, %convert_element_type3A_114, %cond3A_115 : i32
      scf.if %cond3A_116 {
        %dma_wait3A_142 = arith.constant 0 : i32
        %dma_wait3A_143 = arith.constant 0 : i32
        %dma_wait3A_144 = tpu.memref_slice %arg8[%dma_wait3A_142, %dma_wait3A_143] : memref<40x128xi32, #tpu.memory_space<vmem>> -> memref<1x128xi32, #tpu.memory_space<vmem>>
        %dma_wait3A_145 = tpu.memref_squeeze %dma_wait3A_144 : memref<1x128xi32, #tpu.memory_space<vmem>> -> memref<128xi32, #tpu.memory_space<vmem>>
        %dma_wait3A_146 = arith.constant 0 : i32
        %dma_wait3A_147 = tpu.memref_slice %arg17[%dma_wait3A_146] : memref<10240xf32, #tpu.memory_space<vmem_shared>> -> memref<10240xf32, #tpu.memory_space<vmem_shared>>
        tpu.wait_indirect_dma semaphore(%arg18 : memref<!tpu.dma_semaphore, #tpu.memory_space<semaphore_mem>>) src(%arg15 : memref<128xf32, #tpu.memory_space<vmem>>) dst(%dma_wait3A_147 : memref<10240xf32, #tpu.memory_space<vmem_shared>>)
      } else {
      }
      %dma_start3A_117 = arith.constant 0 : i32
      %dma_start3A_118 = tpu.memref_slice %arg8[%mul3A_98, %dma_start3A_117] : memref<40x128xi32, #tpu.memory_space<vmem>> -> memref<1x128xi32, #tpu.memory_space<vmem>>
      %dma_start3A_119 = tpu.memref_squeeze %dma_start3A_118 : memref<1x128xi32, #tpu.memory_space<vmem>> -> memref<128xi32, #tpu.memory_space<vmem>>
      %dma_start3A_120 = arith.constant 0 : i32
      %dma_start3A_121 = tpu.memref_slice %arg17[%dma_start3A_120] : memref<10240xf32, #tpu.memory_space<vmem_shared>> -> memref<10240xf32, #tpu.memory_space<vmem_shared>>
      tpu.enqueue_indirect_dma source(%arg15 : memref<128xf32, #tpu.memory_space<vmem>>) target(%dma_start3A_121 : memref<10240xf32, #tpu.memory_space<vmem_shared>>) offsets(%dma_start3A_119 : memref<128xi32, #tpu.memory_space<vmem>>) semaphore(%arg18 : memref<!tpu.dma_semaphore, #tpu.memory_space<semaphore_mem>>) {add = true}
      %lt3A = arith.constant 19 : i32
      %lt3A_122 = arith.cmpi slt, %scan3A_96, %lt3A : i32
      %convert_element_type3A_123 = arith.extui %lt3A_122 : i1 to i32
      %cond3A_124 = arith.constant 0 : i32
      %cond3A_125 = arith.cmpi ne, %convert_element_type3A_123, %cond3A_124 : i32
      scf.if %cond3A_125 {
        %add3A_142 = arith.constant 2 : i32
        %add3A_143 = arith.addi %mul3A_98, %add3A_142 : i32
        %dma_start3A_144 = arith.constant 0 : i32
        %dma_start3A_145 = tpu.memref_slice %arg7[%add3A_143, %dma_start3A_144] : memref<40x128xi32, #tpu.memory_space<vmem>> -> memref<1x128xi32, #tpu.memory_space<vmem>>
        %dma_start3A_146 = tpu.memref_squeeze %dma_start3A_145 : memref<1x128xi32, #tpu.memory_space<vmem>> -> memref<128xi32, #tpu.memory_space<vmem>>
        %dma_start3A_147 = arith.constant 0 : i32
        %dma_start3A_148 = arith.constant 0 : i32
        %dma_start3A_149 = tpu.memref_slice %arg2[%dma_start3A_147, %dma_start3A_148] : memref<10000x128xf32, #tpu.memory_space<hbm>> -> memref<10000x128xf32, #tpu.memory_space<hbm>>
        tpu.enqueue_indirect_dma source(%dma_start3A_149 : memref<10000x128xf32, #tpu.memory_space<hbm>>) target(%arg9 : memref<128x128xf32, #tpu.memory_space<vmem>>) offsets(%dma_start3A_146 : memref<128xi32, #tpu.memory_space<vmem>>) semaphore(%arg13 : memref<!tpu.dma_semaphore, #tpu.memory_space<semaphore_mem>>)
      } else {
      }
      %dma_wait3A_126 = arith.constant 0 : i32
      %dma_wait3A_127 = tpu.memref_slice %arg7[%add3A_100, %dma_wait3A_126] : memref<40x128xi32, #tpu.memory_space<vmem>> -> memref<1x128xi32, #tpu.memory_space<vmem>>
      %dma_wait3A_128 = tpu.memref_squeeze %dma_wait3A_127 : memref<1x128xi32, #tpu.memory_space<vmem>> -> memref<128xi32, #tpu.memory_space<vmem>>
      %dma_wait3A_129 = arith.constant 0 : i32
      %dma_wait3A_130 = arith.constant 0 : i32
      %dma_wait3A_131 = tpu.memref_slice %arg2[%dma_wait3A_129, %dma_wait3A_130] : memref<10000x128xf32, #tpu.memory_space<hbm>> -> memref<10000x128xf32, #tpu.memory_space<hbm>>
      tpu.wait_indirect_dma semaphore(%arg14 : memref<!tpu.dma_semaphore, #tpu.memory_space<semaphore_mem>>) src(%dma_wait3A_131 : memref<10000x128xf32, #tpu.memory_space<hbm>>) dst(%arg10 : memref<128x128xf32, #tpu.memory_space<vmem>>)
      "tpu.region"() ({
        %run_scoped3A = tpu.sem_alloc : memref<!tpu.dma_semaphore, #tpu.memory_space<semaphore_mem>>
        %dma_start3A_142 = arith.constant 0 : i32
        %dma_start3A_143 = tpu.memref_slice %arg8[%add3A_100, %dma_start3A_142] : memref<40x128xi32, #tpu.memory_space<vmem>> -> memref<1x128xi32, #tpu.memory_space<vmem>>
        %dma_start3A_144 = tpu.memref_squeeze %dma_start3A_143 : memref<1x128xi32, #tpu.memory_space<vmem>> -> memref<128xi32, #tpu.memory_space<vmem>>
        %dma_start3A_145 = arith.constant 0 : i32
        %dma_start3A_146 = arith.constant 0 : i32
        %dma_start3A_147 = tpu.memref_slice %arg12[%dma_start3A_145, %dma_start3A_146] : memref<10240x128xf32, #tpu.memory_space<vmem_shared>> -> memref<10240x128xf32, #tpu.memory_space<vmem_shared>>
        tpu.enqueue_indirect_dma source(%arg10 : memref<128x128xf32, #tpu.memory_space<vmem>>) target(%dma_start3A_147 : memref<10240x128xf32, #tpu.memory_space<vmem_shared>>) offsets(%dma_start3A_144 : memref<128xi32, #tpu.memory_space<vmem>>) semaphore(%run_scoped3A : memref<!tpu.dma_semaphore, #tpu.memory_space<semaphore_mem>>) {add = true}
        %dma_wait3A_148 = arith.constant 0 : i32
        %dma_wait3A_149 = tpu.memref_slice %arg8[%add3A_100, %dma_wait3A_148] : memref<40x128xi32, #tpu.memory_space<vmem>> -> memref<1x128xi32, #tpu.memory_space<vmem>>
        %dma_wait3A_150 = tpu.memref_squeeze %dma_wait3A_149 : memref<1x128xi32, #tpu.memory_space<vmem>> -> memref<128xi32, #tpu.memory_space<vmem>>
        %dma_wait3A_151 = arith.constant 0 : i32
        %dma_wait3A_152 = arith.constant 0 : i32
        %dma_wait3A_153 = tpu.memref_slice %arg12[%dma_wait3A_151, %dma_wait3A_152] : memref<10240x128xf32, #tpu.memory_space<vmem_shared>> -> memref<10240x128xf32, #tpu.memory_space<vmem_shared>>
        tpu.wait_indirect_dma semaphore(%run_scoped3A : memref<!tpu.dma_semaphore, #tpu.memory_space<semaphore_mem>>) src(%arg10 : memref<128x128xf32, #tpu.memory_space<vmem>>) dst(%dma_wait3A_153 : memref<10240x128xf32, #tpu.memory_space<vmem_shared>>)
        tpu.yield
      }) : () -> ()
      %ge3A_132 = arith.constant 1 : i32
      %ge3A_133 = arith.cmpi sge, %scan3A_96, %ge3A_132 : i32
      %convert_element_type3A_134 = arith.extui %ge3A_133 : i1 to i32
      %cond3A_135 = arith.constant 0 : i32
      %cond3A_136 = arith.cmpi ne, %convert_element_type3A_134, %cond3A_135 : i32
      scf.if %cond3A_136 {
        %dma_wait3A_142 = arith.constant 0 : i32
        %dma_wait3A_143 = arith.constant 0 : i32
        %dma_wait3A_144 = tpu.memref_slice %arg8[%dma_wait3A_142, %dma_wait3A_143] : memref<40x128xi32, #tpu.memory_space<vmem>> -> memref<1x128xi32, #tpu.memory_space<vmem>>
        %dma_wait3A_145 = tpu.memref_squeeze %dma_wait3A_144 : memref<1x128xi32, #tpu.memory_space<vmem>> -> memref<128xi32, #tpu.memory_space<vmem>>
        %dma_wait3A_146 = arith.constant 0 : i32
        %dma_wait3A_147 = tpu.memref_slice %arg17[%dma_wait3A_146] : memref<10240xf32, #tpu.memory_space<vmem_shared>> -> memref<10240xf32, #tpu.memory_space<vmem_shared>>
        tpu.wait_indirect_dma semaphore(%arg19 : memref<!tpu.dma_semaphore, #tpu.memory_space<semaphore_mem>>) src(%arg15 : memref<128xf32, #tpu.memory_space<vmem>>) dst(%dma_wait3A_147 : memref<10240xf32, #tpu.memory_space<vmem_shared>>)
      } else {
      }
      %dma_start3A_137 = arith.constant 0 : i32
      %dma_start3A_138 = tpu.memref_slice %arg8[%add3A_100, %dma_start3A_137] : memref<40x128xi32, #tpu.memory_space<vmem>> -> memref<1x128xi32, #tpu.memory_space<vmem>>
      %dma_start3A_139 = tpu.memref_squeeze %dma_start3A_138 : memref<1x128xi32, #tpu.memory_space<vmem>> -> memref<128xi32, #tpu.memory_space<vmem>>
      %dma_start3A_140 = arith.constant 0 : i32
      %dma_start3A_141 = tpu.memref_slice %arg17[%dma_start3A_140] : memref<10240xf32, #tpu.memory_space<vmem_shared>> -> memref<10240xf32, #tpu.memory_space<vmem_shared>>
      tpu.enqueue_indirect_dma source(%arg15 : memref<128xf32, #tpu.memory_space<vmem>>) target(%dma_start3A_141 : memref<10240xf32, #tpu.memory_space<vmem_shared>>) offsets(%dma_start3A_139 : memref<128xi32, #tpu.memory_space<vmem>>) semaphore(%arg19 : memref<!tpu.dma_semaphore, #tpu.memory_space<semaphore_mem>>) {add = true}
    }
    %scan3A_43 = arith.constant 20 : i32
    %dma_wait3A = arith.constant 0 : i32
    %dma_wait3A_44 = arith.constant 0 : i32
    %dma_wait3A_45 = tpu.memref_slice %arg8[%dma_wait3A, %dma_wait3A_44] : memref<40x128xi32, #tpu.memory_space<vmem>> -> memref<1x128xi32, #tpu.memory_space<vmem>>
    %dma_wait3A_46 = tpu.memref_squeeze %dma_wait3A_45 : memref<1x128xi32, #tpu.memory_space<vmem>> -> memref<128xi32, #tpu.memory_space<vmem>>
    %dma_wait3A_47 = arith.constant 0 : i32
    %dma_wait3A_48 = tpu.memref_slice %arg17[%dma_wait3A_47] : memref<10240xf32, #tpu.memory_space<vmem_shared>> -> memref<10240xf32, #tpu.memory_space<vmem_shared>>
    tpu.wait_indirect_dma semaphore(%arg18 : memref<!tpu.dma_semaphore, #tpu.memory_space<semaphore_mem>>) src(%arg15 : memref<128xf32, #tpu.memory_space<vmem>>) dst(%dma_wait3A_48 : memref<10240xf32, #tpu.memory_space<vmem_shared>>)
    %dma_wait3A_49 = arith.constant 0 : i32
    %dma_wait3A_50 = arith.constant 0 : i32
    %dma_wait3A_51 = tpu.memref_slice %arg8[%dma_wait3A_49, %dma_wait3A_50] : memref<40x128xi32, #tpu.memory_space<vmem>> -> memref<1x128xi32, #tpu.memory_space<vmem>>
    %dma_wait3A_52 = tpu.memref_squeeze %dma_wait3A_51 : memref<1x128xi32, #tpu.memory_space<vmem>> -> memref<128xi32, #tpu.memory_space<vmem>>
    %dma_wait3A_53 = arith.constant 0 : i32
    %dma_wait3A_54 = tpu.memref_slice %arg17[%dma_wait3A_53] : memref<10240xf32, #tpu.memory_space<vmem_shared>> -> memref<10240xf32, #tpu.memory_space<vmem_shared>>
    tpu.wait_indirect_dma semaphore(%arg19 : memref<!tpu.dma_semaphore, #tpu.memory_space<semaphore_mem>>) src(%arg15 : memref<128xf32, #tpu.memory_space<vmem>>) dst(%dma_wait3A_54 : memref<10240xf32, #tpu.memory_space<vmem_shared>>)
    %mul3A_55 = arith.constant 40 : i32
    %mul3A_56 = arith.muli %add3A, %mul3A_55 : i32
    %mul3A_57 = arith.constant 2 : i32
    %mul3A_58 = arith.muli %mul3A_56, %mul3A_57 : i32
    %add3A_59 = arith.constant 40 : i32
    %add3A_60 = arith.addi %mul3A_58, %add3A_59 : i32
    "tpu.region"() ({
      %run_scoped3A = tpu.sem_alloc : memref<!tpu.dma_semaphore, #tpu.memory_space<semaphore_mem>>
      %dma_start3A_96 = arith.constant 0 : i32
      %dma_start3A_97 = tpu.memref_slice %arg3[%add3A_60, %dma_start3A_96] : memref<2560x128xi32, #tpu.memory_space<hbm>> -> memref<40x128xi32, #tpu.memory_space<hbm>>
      %dma_start3A_98 = arith.constant 0 : i32
      %dma_start3A_99 = tpu.memref_slice %arg3[%add3A_60, %dma_start3A_98] : memref<2560x128xi32, #tpu.memory_space<hbm>> -> memref<40x128xi32, #tpu.memory_space<hbm>>
      tpu.enqueue_dma source(%dma_start3A_99 : memref<40x128xi32, #tpu.memory_space<hbm>>) target(%arg7 : memref<40x128xi32, #tpu.memory_space<vmem>>) target_semaphore(%run_scoped3A : memref<!tpu.dma_semaphore, #tpu.memory_space<semaphore_mem>>)
      %dma_wait3A_100 = arith.constant 0 : i32
      %dma_wait3A_101 = tpu.memref_slice %arg3[%add3A_60, %dma_wait3A_100] : memref<2560x128xi32, #tpu.memory_space<hbm>> -> memref<40x128xi32, #tpu.memory_space<hbm>>
      %dma_wait3A_102 = arith.constant 0 : i32
      %dma_wait3A_103 = tpu.memref_slice %arg3[%add3A_60, %dma_wait3A_102] : memref<2560x128xi32, #tpu.memory_space<hbm>> -> memref<40x128xi32, #tpu.memory_space<hbm>>
      tpu.wait_dma2 semaphore(%run_scoped3A : memref<!tpu.dma_semaphore, #tpu.memory_space<semaphore_mem>>) src(%dma_wait3A_103 : memref<40x128xi32, #tpu.memory_space<hbm>>) dst(%arg7 : memref<40x128xi32, #tpu.memory_space<vmem>>)
      tpu.yield
    }) : () -> ()
    "tpu.region"() ({
      %run_scoped3A = tpu.sem_alloc : memref<!tpu.dma_semaphore, #tpu.memory_space<semaphore_mem>>
      %dma_start3A_96 = arith.constant 0 : i32
      %dma_start3A_97 = tpu.memref_slice %arg4[%add3A_60, %dma_start3A_96] : memref<2560x128xi32, #tpu.memory_space<hbm>> -> memref<40x128xi32, #tpu.memory_space<hbm>>
      %dma_start3A_98 = arith.constant 0 : i32
      %dma_start3A_99 = tpu.memref_slice %arg4[%add3A_60, %dma_start3A_98] : memref<2560x128xi32, #tpu.memory_space<hbm>> -> memref<40x128xi32, #tpu.memory_space<hbm>>
      tpu.enqueue_dma source(%dma_start3A_99 : memref<40x128xi32, #tpu.memory_space<hbm>>) target(%arg8 : memref<40x128xi32, #tpu.memory_space<vmem>>) target_semaphore(%run_scoped3A : memref<!tpu.dma_semaphore, #tpu.memory_space<semaphore_mem>>)
      %dma_wait3A_100 = arith.constant 0 : i32
      %dma_wait3A_101 = tpu.memref_slice %arg4[%add3A_60, %dma_wait3A_100] : memref<2560x128xi32, #tpu.memory_space<hbm>> -> memref<40x128xi32, #tpu.memory_space<hbm>>
      %dma_wait3A_102 = arith.constant 0 : i32
      %dma_wait3A_103 = tpu.memref_slice %arg4[%add3A_60, %dma_wait3A_102] : memref<2560x128xi32, #tpu.memory_space<hbm>> -> memref<40x128xi32, #tpu.memory_space<hbm>>
      tpu.wait_dma2 semaphore(%run_scoped3A : memref<!tpu.dma_semaphore, #tpu.memory_space<semaphore_mem>>) src(%dma_wait3A_103 : memref<40x128xi32, #tpu.memory_space<hbm>>) dst(%arg8 : memref<40x128xi32, #tpu.memory_space<vmem>>)
      tpu.yield
    }) : () -> ()
    %dma_start3A_61 = arith.constant 0 : i32
    %dma_start3A_62 = arith.constant 0 : i32
    %dma_start3A_63 = tpu.memref_slice %arg7[%dma_start3A_61, %dma_start3A_62] : memref<40x128xi32, #tpu.memory_space<vmem>> -> memref<1x128xi32, #tpu.memory_space<vmem>>
    %dma_start3A_64 = tpu.memref_squeeze %dma_start3A_63 : memref<1x128xi32, #tpu.memory_space<vmem>> -> memref<128xi32, #tpu.memory_space<vmem>>
    %dma_start3A_65 = arith.constant 0 : i32
    %dma_start3A_66 = arith.constant 0 : i32
    %dma_start3A_67 = tpu.memref_slice %arg2[%dma_start3A_65, %dma_start3A_66] : memref<10000x128xf32, #tpu.memory_space<hbm>> -> memref<10000x128xf32, #tpu.memory_space<hbm>>
    tpu.enqueue_indirect_dma source(%dma_start3A_67 : memref<10000x128xf32, #tpu.memory_space<hbm>>) target(%arg9 : memref<128x128xf32, #tpu.memory_space<vmem>>) offsets(%dma_start3A_64 : memref<128xi32, #tpu.memory_space<vmem>>) semaphore(%arg13 : memref<!tpu.dma_semaphore, #tpu.memory_space<semaphore_mem>>)
    %scan3A_68 = arith.constant 0 : i32
    %scan3A_69 = arith.constant 0 : i32
    %scan3A_70 = arith.constant 20 : i32
    %scan3A_71 = arith.addi %scan3A_69, %scan3A_70 : i32
    %scan3A_72 = arith.constant 1 : i32
    scf.for %scan3A_96 = %scan3A_69 to %scan3A_71 step %scan3A_72  : i32 {
      %mul3A_97 = arith.constant 2 : i32
      %mul3A_98 = arith.muli %scan3A_96, %mul3A_97 : i32
      %add3A_99 = arith.constant 1 : i32
      %add3A_100 = arith.addi %mul3A_98, %add3A_99 : i32
      %dma_start3A_101 = arith.constant 0 : i32
      %dma_start3A_102 = tpu.memref_slice %arg7[%add3A_100, %dma_start3A_101] : memref<40x128xi32, #tpu.memory_space<vmem>> -> memref<1x128xi32, #tpu.memory_space<vmem>>
      %dma_start3A_103 = tpu.memref_squeeze %dma_start3A_102 : memref<1x128xi32, #tpu.memory_space<vmem>> -> memref<128xi32, #tpu.memory_space<vmem>>
      %dma_start3A_104 = arith.constant 0 : i32
      %dma_start3A_105 = arith.constant 0 : i32
      %dma_start3A_106 = tpu.memref_slice %arg2[%dma_start3A_104, %dma_start3A_105] : memref<10000x128xf32, #tpu.memory_space<hbm>> -> memref<10000x128xf32, #tpu.memory_space<hbm>>
      tpu.enqueue_indirect_dma source(%dma_start3A_106 : memref<10000x128xf32, #tpu.memory_space<hbm>>) target(%arg10 : memref<128x128xf32, #tpu.memory_space<vmem>>) offsets(%dma_start3A_103 : memref<128xi32, #tpu.memory_space<vmem>>) semaphore(%arg14 : memref<!tpu.dma_semaphore, #tpu.memory_space<semaphore_mem>>)
      %dma_wait3A_107 = arith.constant 0 : i32
      %dma_wait3A_108 = tpu.memref_slice %arg7[%mul3A_98, %dma_wait3A_107] : memref<40x128xi32, #tpu.memory_space<vmem>> -> memref<1x128xi32, #tpu.memory_space<vmem>>
      %dma_wait3A_109 = tpu.memref_squeeze %dma_wait3A_108 : memref<1x128xi32, #tpu.memory_space<vmem>> -> memref<128xi32, #tpu.memory_space<vmem>>
      %dma_wait3A_110 = arith.constant 0 : i32
      %dma_wait3A_111 = arith.constant 0 : i32
      %dma_wait3A_112 = tpu.memref_slice %arg2[%dma_wait3A_110, %dma_wait3A_111] : memref<10000x128xf32, #tpu.memory_space<hbm>> -> memref<10000x128xf32, #tpu.memory_space<hbm>>
      tpu.wait_indirect_dma semaphore(%arg13 : memref<!tpu.dma_semaphore, #tpu.memory_space<semaphore_mem>>) src(%dma_wait3A_112 : memref<10000x128xf32, #tpu.memory_space<hbm>>) dst(%arg9 : memref<128x128xf32, #tpu.memory_space<vmem>>)
      "tpu.region"() ({
        %run_scoped3A = tpu.sem_alloc : memref<!tpu.dma_semaphore, #tpu.memory_space<semaphore_mem>>
        %dma_start3A_142 = arith.constant 0 : i32
        %dma_start3A_143 = tpu.memref_slice %arg8[%mul3A_98, %dma_start3A_142] : memref<40x128xi32, #tpu.memory_space<vmem>> -> memref<1x128xi32, #tpu.memory_space<vmem>>
        %dma_start3A_144 = tpu.memref_squeeze %dma_start3A_143 : memref<1x128xi32, #tpu.memory_space<vmem>> -> memref<128xi32, #tpu.memory_space<vmem>>
        %dma_start3A_145 = arith.constant 0 : i32
        %dma_start3A_146 = arith.constant 0 : i32
        %dma_start3A_147 = tpu.memref_slice %arg12[%dma_start3A_145, %dma_start3A_146] : memref<10240x128xf32, #tpu.memory_space<vmem_shared>> -> memref<10240x128xf32, #tpu.memory_space<vmem_shared>>
        tpu.enqueue_indirect_dma source(%arg9 : memref<128x128xf32, #tpu.memory_space<vmem>>) target(%dma_start3A_147 : memref<10240x128xf32, #tpu.memory_space<vmem_shared>>) offsets(%dma_start3A_144 : memref<128xi32, #tpu.memory_space<vmem>>) semaphore(%run_scoped3A : memref<!tpu.dma_semaphore, #tpu.memory_space<semaphore_mem>>) {add = true}
        %dma_wait3A_148 = arith.constant 0 : i32
        %dma_wait3A_149 = tpu.memref_slice %arg8[%mul3A_98, %dma_wait3A_148] : memref<40x128xi32, #tpu.memory_space<vmem>> -> memref<1x128xi32, #tpu.memory_space<vmem>>
        %dma_wait3A_150 = tpu.memref_squeeze %dma_wait3A_149 : memref<1x128xi32, #tpu.memory_space<vmem>> -> memref<128xi32, #tpu.memory_space<vmem>>
        %dma_wait3A_151 = arith.constant 0 : i32
        %dma_wait3A_152 = arith.constant 0 : i32
        %dma_wait3A_153 = tpu.memref_slice %arg12[%dma_wait3A_151, %dma_wait3A_152] : memref<10240x128xf32, #tpu.memory_space<vmem_shared>> -> memref<10240x128xf32, #tpu.memory_space<vmem_shared>>
        tpu.wait_indirect_dma semaphore(%run_scoped3A : memref<!tpu.dma_semaphore, #tpu.memory_space<semaphore_mem>>) src(%arg9 : memref<128x128xf32, #tpu.memory_space<vmem>>) dst(%dma_wait3A_153 : memref<10240x128xf32, #tpu.memory_space<vmem_shared>>)
        tpu.yield
      }) : () -> ()
      %ge3A = arith.constant 1 : i32
      %ge3A_113 = arith.cmpi sge, %scan3A_96, %ge3A : i32
      %convert_element_type3A_114 = arith.extui %ge3A_113 : i1 to i32
      %cond3A_115 = arith.constant 0 : i32
      %cond3A_116 = arith.cmpi ne, %convert_element_type3A_114, %cond3A_115 : i32
      scf.if %cond3A_116 {
        %dma_wait3A_142 = arith.constant 0 : i32
        %dma_wait3A_143 = arith.constant 0 : i32
        %dma_wait3A_144 = tpu.memref_slice %arg8[%dma_wait3A_142, %dma_wait3A_143] : memref<40x128xi32, #tpu.memory_space<vmem>> -> memref<1x128xi32, #tpu.memory_space<vmem>>
        %dma_wait3A_145 = tpu.memref_squeeze %dma_wait3A_144 : memref<1x128xi32, #tpu.memory_space<vmem>> -> memref<128xi32, #tpu.memory_space<vmem>>
        %dma_wait3A_146 = arith.constant 0 : i32
        %dma_wait3A_147 = tpu.memref_slice %arg17[%dma_wait3A_146] : memref<10240xf32, #tpu.memory_space<vmem_shared>> -> memref<10240xf32, #tpu.memory_space<vmem_shared>>
        tpu.wait_indirect_dma semaphore(%arg18 : memref<!tpu.dma_semaphore, #tpu.memory_space<semaphore_mem>>) src(%arg15 : memref<128xf32, #tpu.memory_space<vmem>>) dst(%dma_wait3A_147 : memref<10240xf32, #tpu.memory_space<vmem_shared>>)
      } else {
      }
      %dma_start3A_117 = arith.constant 0 : i32
      %dma_start3A_118 = tpu.memref_slice %arg8[%mul3A_98, %dma_start3A_117] : memref<40x128xi32, #tpu.memory_space<vmem>> -> memref<1x128xi32, #tpu.memory_space<vmem>>
      %dma_start3A_119 = tpu.memref_squeeze %dma_start3A_118 : memref<1x128xi32, #tpu.memory_space<vmem>> -> memref<128xi32, #tpu.memory_space<vmem>>
      %dma_start3A_120 = arith.constant 0 : i32
      %dma_start3A_121 = tpu.memref_slice %arg17[%dma_start3A_120] : memref<10240xf32, #tpu.memory_space<vmem_shared>> -> memref<10240xf32, #tpu.memory_space<vmem_shared>>
      tpu.enqueue_indirect_dma source(%arg15 : memref<128xf32, #tpu.memory_space<vmem>>) target(%dma_start3A_121 : memref<10240xf32, #tpu.memory_space<vmem_shared>>) offsets(%dma_start3A_119 : memref<128xi32, #tpu.memory_space<vmem>>) semaphore(%arg18 : memref<!tpu.dma_semaphore, #tpu.memory_space<semaphore_mem>>) {add = true}
      %lt3A = arith.constant 19 : i32
      %lt3A_122 = arith.cmpi slt, %scan3A_96, %lt3A : i32
      %convert_element_type3A_123 = arith.extui %lt3A_122 : i1 to i32
      %cond3A_124 = arith.constant 0 : i32
      %cond3A_125 = arith.cmpi ne, %convert_element_type3A_123, %cond3A_124 : i32
      scf.if %cond3A_125 {
        %add3A_142 = arith.constant 2 : i32
        %add3A_143 = arith.addi %mul3A_98, %add3A_142 : i32
        %dma_start3A_144 = arith.constant 0 : i32
        %dma_start3A_145 = tpu.memref_slice %arg7[%add3A_143, %dma_start3A_144] : memref<40x128xi32, #tpu.memory_space<vmem>> -> memref<1x128xi32, #tpu.memory_space<vmem>>
        %dma_start3A_146 = tpu.memref_squeeze %dma_start3A_145 : memref<1x128xi32, #tpu.memory_space<vmem>> -> memref<128xi32, #tpu.memory_space<vmem>>
        %dma_start3A_147 = arith.constant 0 : i32
        %dma_start3A_148 = arith.constant 0 : i32
        %dma_start3A_149 = tpu.memref_slice %arg2[%dma_start3A_147, %dma_start3A_148] : memref<10000x128xf32, #tpu.memory_space<hbm>> -> memref<10000x128xf32, #tpu.memory_space<hbm>>
        tpu.enqueue_indirect_dma source(%dma_start3A_149 : memref<10000x128xf32, #tpu.memory_space<hbm>>) target(%arg9 : memref<128x128xf32, #tpu.memory_space<vmem>>) offsets(%dma_start3A_146 : memref<128xi32, #tpu.memory_space<vmem>>) semaphore(%arg13 : memref<!tpu.dma_semaphore, #tpu.memory_space<semaphore_mem>>)
      } else {
      }
      %dma_wait3A_126 = arith.constant 0 : i32
      %dma_wait3A_127 = tpu.memref_slice %arg7[%add3A_100, %dma_wait3A_126] : memref<40x128xi32, #tpu.memory_space<vmem>> -> memref<1x128xi32, #tpu.memory_space<vmem>>
      %dma_wait3A_128 = tpu.memref_squeeze %dma_wait3A_127 : memref<1x128xi32, #tpu.memory_space<vmem>> -> memref<128xi32, #tpu.memory_space<vmem>>
      %dma_wait3A_129 = arith.constant 0 : i32
      %dma_wait3A_130 = arith.constant 0 : i32
      %dma_wait3A_131 = tpu.memref_slice %arg2[%dma_wait3A_129, %dma_wait3A_130] : memref<10000x128xf32, #tpu.memory_space<hbm>> -> memref<10000x128xf32, #tpu.memory_space<hbm>>
      tpu.wait_indirect_dma semaphore(%arg14 : memref<!tpu.dma_semaphore, #tpu.memory_space<semaphore_mem>>) src(%dma_wait3A_131 : memref<10000x128xf32, #tpu.memory_space<hbm>>) dst(%arg10 : memref<128x128xf32, #tpu.memory_space<vmem>>)
      "tpu.region"() ({
        %run_scoped3A = tpu.sem_alloc : memref<!tpu.dma_semaphore, #tpu.memory_space<semaphore_mem>>
        %dma_start3A_142 = arith.constant 0 : i32
        %dma_start3A_143 = tpu.memref_slice %arg8[%add3A_100, %dma_start3A_142] : memref<40x128xi32, #tpu.memory_space<vmem>> -> memref<1x128xi32, #tpu.memory_space<vmem>>
        %dma_start3A_144 = tpu.memref_squeeze %dma_start3A_143 : memref<1x128xi32, #tpu.memory_space<vmem>> -> memref<128xi32, #tpu.memory_space<vmem>>
        %dma_start3A_145 = arith.constant 0 : i32
        %dma_start3A_146 = arith.constant 0 : i32
        %dma_start3A_147 = tpu.memref_slice %arg12[%dma_start3A_145, %dma_start3A_146] : memref<10240x128xf32, #tpu.memory_space<vmem_shared>> -> memref<10240x128xf32, #tpu.memory_space<vmem_shared>>
        tpu.enqueue_indirect_dma source(%arg10 : memref<128x128xf32, #tpu.memory_space<vmem>>) target(%dma_start3A_147 : memref<10240x128xf32, #tpu.memory_space<vmem_shared>>) offsets(%dma_start3A_144 : memref<128xi32, #tpu.memory_space<vmem>>) semaphore(%run_scoped3A : memref<!tpu.dma_semaphore, #tpu.memory_space<semaphore_mem>>) {add = true}
        %dma_wait3A_148 = arith.constant 0 : i32
        %dma_wait3A_149 = tpu.memref_slice %arg8[%add3A_100, %dma_wait3A_148] : memref<40x128xi32, #tpu.memory_space<vmem>> -> memref<1x128xi32, #tpu.memory_space<vmem>>
        %dma_wait3A_150 = tpu.memref_squeeze %dma_wait3A_149 : memref<1x128xi32, #tpu.memory_space<vmem>> -> memref<128xi32, #tpu.memory_space<vmem>>
        %dma_wait3A_151 = arith.constant 0 : i32
        %dma_wait3A_152 = arith.constant 0 : i32
        %dma_wait3A_153 = tpu.memref_slice %arg12[%dma_wait3A_151, %dma_wait3A_152] : memref<10240x128xf32, #tpu.memory_space<vmem_shared>> -> memref<10240x128xf32, #tpu.memory_space<vmem_shared>>
        tpu.wait_indirect_dma semaphore(%run_scoped3A : memref<!tpu.dma_semaphore, #tpu.memory_space<semaphore_mem>>) src(%arg10 : memref<128x128xf32, #tpu.memory_space<vmem>>) dst(%dma_wait3A_153 : memref<10240x128xf32, #tpu.memory_space<vmem_shared>>)
        tpu.yield
      }) : () -> ()
      %ge3A_132 = arith.constant 1 : i32
      %ge3A_133 = arith.cmpi sge, %scan3A_96, %ge3A_132 : i32
      %convert_element_type3A_134 = arith.extui %ge3A_133 : i1 to i32
      %cond3A_135 = arith.constant 0 : i32
      %cond3A_136 = arith.cmpi ne, %convert_element_type3A_134, %cond3A_135 : i32
      scf.if %cond3A_136 {
        %dma_wait3A_142 = arith.constant 0 : i32
        %dma_wait3A_143 = arith.constant 0 : i32
        %dma_wait3A_144 = tpu.memref_slice %arg8[%dma_wait3A_142, %dma_wait3A_143] : memref<40x128xi32, #tpu.memory_space<vmem>> -> memref<1x128xi32, #tpu.memory_space<vmem>>
        %dma_wait3A_145 = tpu.memref_squeeze %dma_wait3A_144 : memref<1x128xi32, #tpu.memory_space<vmem>> -> memref<128xi32, #tpu.memory_space<vmem>>
        %dma_wait3A_146 = arith.constant 0 : i32
        %dma_wait3A_147 = tpu.memref_slice %arg17[%dma_wait3A_146] : memref<10240xf32, #tpu.memory_space<vmem_shared>> -> memref<10240xf32, #tpu.memory_space<vmem_shared>>
        tpu.wait_indirect_dma semaphore(%arg19 : memref<!tpu.dma_semaphore, #tpu.memory_space<semaphore_mem>>) src(%arg15 : memref<128xf32, #tpu.memory_space<vmem>>) dst(%dma_wait3A_147 : memref<10240xf32, #tpu.memory_space<vmem_shared>>)
      } else {
      }
      %dma_start3A_137 = arith.constant 0 : i32
      %dma_start3A_138 = tpu.memref_slice %arg8[%add3A_100, %dma_start3A_137] : memref<40x128xi32, #tpu.memory_space<vmem>> -> memref<1x128xi32, #tpu.memory_space<vmem>>
      %dma_start3A_139 = tpu.memref_squeeze %dma_start3A_138 : memref<1x128xi32, #tpu.memory_space<vmem>> -> memref<128xi32, #tpu.memory_space<vmem>>
      %dma_start3A_140 = arith.constant 0 : i32
      %dma_start3A_141 = tpu.memref_slice %arg17[%dma_start3A_140] : memref<10240xf32, #tpu.memory_space<vmem_shared>> -> memref<10240xf32, #tpu.memory_space<vmem_shared>>
      tpu.enqueue_indirect_dma source(%arg15 : memref<128xf32, #tpu.memory_space<vmem>>) target(%dma_start3A_141 : memref<10240xf32, #tpu.memory_space<vmem_shared>>) offsets(%dma_start3A_139 : memref<128xi32, #tpu.memory_space<vmem>>) semaphore(%arg19 : memref<!tpu.dma_semaphore, #tpu.memory_space<semaphore_mem>>) {add = true}
    }
    %scan3A_73 = arith.constant 20 : i32
    %dma_wait3A_74 = arith.constant 0 : i32
    %dma_wait3A_75 = arith.constant 0 : i32
    %dma_wait3A_76 = tpu.memref_slice %arg8[%dma_wait3A_74, %dma_wait3A_75] : memref<40x128xi32, #tpu.memory_space<vmem>> -> memref<1x128xi32, #tpu.memory_space<vmem>>
    %dma_wait3A_77 = tpu.memref_squeeze %dma_wait3A_76 : memref<1x128xi32, #tpu.memory_space<vmem>> -> memref<128xi32, #tpu.memory_space<vmem>>
    %dma_wait3A_78 = arith.constant 0 : i32
    %dma_wait3A_79 = tpu.memref_slice %arg17[%dma_wait3A_78] : memref<10240xf32, #tpu.memory_space<vmem_shared>> -> memref<10240xf32, #tpu.memory_space<vmem_shared>>
    tpu.wait_indirect_dma semaphore(%arg18 : memref<!tpu.dma_semaphore, #tpu.memory_space<semaphore_mem>>) src(%arg15 : memref<128xf32, #tpu.memory_space<vmem>>) dst(%dma_wait3A_79 : memref<10240xf32, #tpu.memory_space<vmem_shared>>)
    %dma_wait3A_80 = arith.constant 0 : i32
    %dma_wait3A_81 = arith.constant 0 : i32
    %dma_wait3A_82 = tpu.memref_slice %arg8[%dma_wait3A_80, %dma_wait3A_81] : memref<40x128xi32, #tpu.memory_space<vmem>> -> memref<1x128xi32, #tpu.memory_space<vmem>>
    %dma_wait3A_83 = tpu.memref_squeeze %dma_wait3A_82 : memref<1x128xi32, #tpu.memory_space<vmem>> -> memref<128xi32, #tpu.memory_space<vmem>>
    %dma_wait3A_84 = arith.constant 0 : i32
    %dma_wait3A_85 = tpu.memref_slice %arg17[%dma_wait3A_84] : memref<10240xf32, #tpu.memory_space<vmem_shared>> -> memref<10240xf32, #tpu.memory_space<vmem_shared>>
    tpu.wait_indirect_dma semaphore(%arg19 : memref<!tpu.dma_semaphore, #tpu.memory_space<semaphore_mem>>) src(%arg15 : memref<128xf32, #tpu.memory_space<vmem>>) dst(%dma_wait3A_85 : memref<10240xf32, #tpu.memory_space<vmem_shared>>)
    %barrier3A_86 = arith.constant 0 : index
    tpu.barrier barrier_id(%barrier3A_86)
    %mul3A_87 = arith.constant 640 : i32
    %mul3A_88 = arith.muli %arg1, %mul3A_87 : i32
    %mul3A_89 = arith.constant 640 : i32
    %mul3A_90 = arith.muli %arg1, %mul3A_89 : i32
    "tpu.region"() ({
      %run_scoped3A = tpu.sem_alloc : memref<!tpu.dma_semaphore, #tpu.memory_space<semaphore_mem>>
      %dma_start3A_96 = arith.constant 0 : i32
      %dma_start3A_97 = tpu.memref_slice %arg5[%arg0, %mul3A_90, %dma_start3A_96] : memref<2x10240x128xf32, #tpu.memory_space<hbm>> -> memref<1x640x128xf32, #tpu.memory_space<hbm>>
      %dma_start3A_98 = tpu.memref_squeeze %dma_start3A_97 : memref<1x640x128xf32, #tpu.memory_space<hbm>> -> memref<640x128xf32, #tpu.memory_space<hbm>>
      %dma_start3A_99 = arith.constant 0 : i32
      %dma_start3A_100 = tpu.memref_slice %arg12[%mul3A_88, %dma_start3A_99] : memref<10240x128xf32, #tpu.memory_space<vmem_shared>> -> memref<640x128xf32, #tpu.memory_space<vmem_shared>>
      tpu.enqueue_dma source(%dma_start3A_100 : memref<640x128xf32, #tpu.memory_space<vmem_shared>>) target(%dma_start3A_98 : memref<640x128xf32, #tpu.memory_space<hbm>>) target_semaphore(%run_scoped3A : memref<!tpu.dma_semaphore, #tpu.memory_space<semaphore_mem>>)
      %dma_wait3A_101 = arith.constant 0 : i32
      %dma_wait3A_102 = tpu.memref_slice %arg5[%arg0, %mul3A_90, %dma_wait3A_101] : memref<2x10240x128xf32, #tpu.memory_space<hbm>> -> memref<1x640x128xf32, #tpu.memory_space<hbm>>
      %dma_wait3A_103 = tpu.memref_squeeze %dma_wait3A_102 : memref<1x640x128xf32, #tpu.memory_space<hbm>> -> memref<640x128xf32, #tpu.memory_space<hbm>>
      %dma_wait3A_104 = arith.constant 0 : i32
      %dma_wait3A_105 = tpu.memref_slice %arg12[%mul3A_88, %dma_wait3A_104] : memref<10240x128xf32, #tpu.memory_space<vmem_shared>> -> memref<640x128xf32, #tpu.memory_space<vmem_shared>>
      tpu.wait_dma2 semaphore(%run_scoped3A : memref<!tpu.dma_semaphore, #tpu.memory_space<semaphore_mem>>) src(%dma_wait3A_105 : memref<640x128xf32, #tpu.memory_space<vmem_shared>>) dst(%dma_wait3A_103 : memref<640x128xf32, #tpu.memory_space<hbm>>)
      tpu.yield
    }) : () -> ()
    %eq3A_91 = arith.constant 0 : i32
    %eq3A_92 = arith.cmpi eq, %arg1, %eq3A_91 : i32
    %convert_element_type3A_93 = arith.extui %eq3A_92 : i1 to i32
    %cond3A_94 = arith.constant 0 : i32
    %cond3A_95 = arith.cmpi ne, %convert_element_type3A_93, %cond3A_94 : i32
    scf.if %cond3A_95 {
      "tpu.region"() ({
        %run_scoped3A = tpu.sem_alloc : memref<!tpu.dma_semaphore, #tpu.memory_space<semaphore_mem>>
        %dma_start3A_96 = arith.constant 0 : i32
        %dma_start3A_97 = tpu.memref_slice %arg6[%arg0, %dma_start3A_96] : memref<2x10240xf32, #tpu.memory_space<hbm>> -> memref<1x10240xf32, #tpu.memory_space<hbm>>
        %dma_start3A_98 = tpu.memref_squeeze %dma_start3A_97 : memref<1x10240xf32, #tpu.memory_space<hbm>> -> memref<10240xf32, #tpu.memory_space<hbm>>
        tpu.enqueue_dma source(%arg17 : memref<10240xf32, #tpu.memory_space<vmem_shared>>) target(%dma_start3A_98 : memref<10240xf32, #tpu.memory_space<hbm>>) target_semaphore(%run_scoped3A : memref<!tpu.dma_semaphore, #tpu.memory_space<semaphore_mem>>)
        %dma_wait3A_99 = arith.constant 0 : i32
        %dma_wait3A_100 = tpu.memref_slice %arg6[%arg0, %dma_wait3A_99] : memref<2x10240xf32, #tpu.memory_space<hbm>> -> memref<1x10240xf32, #tpu.memory_space<hbm>>
        %dma_wait3A_101 = tpu.memref_squeeze %dma_wait3A_100 : memref<1x10240xf32, #tpu.memory_space<hbm>> -> memref<10240xf32, #tpu.memory_space<hbm>>
        tpu.wait_dma2 semaphore(%run_scoped3A : memref<!tpu.dma_semaphore, #tpu.memory_space<semaphore_mem>>) src(%arg17 : memref<10240xf32, #tpu.memory_space<vmem_shared>>) dst(%dma_wait3A_101 : memref<10240xf32, #tpu.memory_space<hbm>>)
        tpu.yield
      }) : () -> ()
    } else {
    }
    return
  }
}

module attributes {stable_mosaic.version = 14 : i64} {
  func.func @_tc0_body(%arg0: i32, %arg1: memref<1024x128xf32, #tpu.memory_space<vmem>>, %arg2: memref<128x128xf32, #tpu.memory_space<vmem>>, %arg3: memref<1x128xf32, #tpu.memory_space<vmem>>, %arg4: memref<1024x128xf32, #tpu.memory_space<vmem>>) attributes {dimension_semantics = [#tpu.dimension_semantics<arbitrary>], iteration_bounds = array<i64: 10>, scalar_prefetch = 0 : i64, scratch_operands = 0 : i64, tpu.core_type = #tpu.core_type<tc>, window_params = [{transform_indices = @transform_0, window_bounds = array<i64: 1024, 128>}, {pipeline_mode = #tpu.pipeline_mode<synchronous>, transform_indices = @transform_1, window_bounds = array<i64: 128, 128>}, {pipeline_mode = #tpu.pipeline_mode<synchronous>, transform_indices = @transform_2, window_bounds = array<i64: 1, 128>}, {transform_indices = @transform_3, window_bounds = array<i64: 1024, 128>}]} {
    %get3A = arith.constant 0 : index
    %get3A_0 = arith.constant 0 : index
    %get3A_1 = vector.load %arg1[%get3A, %get3A_0] : memref<1024x128xf32, #tpu.memory_space<vmem>>, vector<1024x128xf32>
    %get3A_2 = arith.constant 0 : index
    %get3A_3 = arith.constant 0 : index
    %get3A_4 = vector.load %arg2[%get3A_2, %get3A_3] : memref<128x128xf32, #tpu.memory_space<vmem>>, vector<128x128xf32>
    %dot_general3A = arith.constant dense<0.000000e+00> : vector<1024x128xf32>
    %dot_general3A_5 = tpu.matmul %get3A_1, %get3A_4, %dot_general3A {dimension_numbers = #tpu.dot_dimension_numbers<[1], [0], [0], [1], [0, 0, 1, 1], [], []>, transpose_lhs_hint = false} : vector<1024x128xf32>, vector<128x128xf32>, vector<1024x128xf32> -> vector<1024x128xf32>
    %get3A_6 = arith.constant 0 : index
    %get3A_7 = arith.constant 0 : index
    %get3A_8 = vector.load %arg3[%get3A_6, %get3A_7] : memref<1x128xf32, #tpu.memory_space<vmem>>, vector<1x128xf32>
    %add3A = vector.broadcast %get3A_8 : vector<1x128xf32> to vector<1024x128xf32>
    %add3A_9 = arith.addf %dot_general3A_5, %add3A : vector<1024x128xf32>
    %swap3A = arith.constant 0 : index
    %swap3A_10 = arith.constant 0 : index
    %swap3A_11 = vector.load %arg4[%swap3A, %swap3A_10] : memref<1024x128xf32, #tpu.memory_space<vmem>>, vector<1024x128xf32>
    tpu.vector_store %arg4[%swap3A, %swap3A_10], %add3A_9 {strides = array<i32>} : memref<1024x128xf32, #tpu.memory_space<vmem>>, vector<1024x128xf32>,
    return
  }
  func.func @transform_0(%arg0: i32) -> (i32, i32) {
    %c0_i32 = arith.constant 0 : i32
    %c0_i32_0 = arith.constant 0 : i32
    return %arg0, %c0_i32 : i32, i32
  }
  func.func @transform_1(%arg0: i32) -> (i32, i32) {
    %c0_i32 = arith.constant 0 : i32
    %c0_i32_0 = arith.constant 0 : i32
    %c0_i32_1 = arith.constant 0 : i32
    return %c0_i32, %c0_i32_0 : i32, i32
  }
  func.func @transform_2(%arg0: i32) -> (i32, i32) {
    %c0_i32 = arith.constant 0 : i32
    %c0_i32_0 = arith.constant 0 : i32
    %c0_i32_1 = arith.constant 0 : i32
    return %c0_i32, %c0_i32_0 : i32, i32
  }
  func.func @transform_3(%arg0: i32) -> (i32, i32) {
    %c0_i32 = arith.constant 0 : i32
    %c0_i32_0 = arith.constant 0 : i32
    return %arg0, %c0_i32 : i32, i32
  }
}

module attributes {stable_mosaic.version = 14 : i64} {
  func.func @_tc1_body(%arg0: i32, %arg1: memref<1024x128xf32, #tpu.memory_space<vmem>>, %arg2: memref<2x1024x128xf32, #tpu.memory_space<vmem>>, %arg3: memref<2x1024xf32, #tpu.memory_space<vmem>>, %arg4: memref<128x128xf32, #tpu.memory_space<vmem>>, %arg5: memref<128x64xf32, #tpu.memory_space<vmem>>, %arg6: memref<1024x128xf32, #tpu.memory_space<vmem>>, %arg7: memref<1024x64xf32, #tpu.memory_space<vmem>>) attributes {dimension_semantics = [#tpu.dimension_semantics<arbitrary>], iteration_bounds = array<i64: 10>, scalar_prefetch = 0 : i64, scratch_operands = 0 : i64, tpu.core_type = #tpu.core_type<tc>, window_params = [{transform_indices = @transform_0, window_bounds = array<i64: 1024, 128>}, {transform_indices = @transform_1, window_bounds = array<i64: 2, 1024, 128>}, {transform_indices = @transform_2, window_bounds = array<i64: 2, 1024>}, {pipeline_mode = #tpu.pipeline_mode<synchronous>, transform_indices = @transform_3, window_bounds = array<i64: 128, 128>}, {pipeline_mode = #tpu.pipeline_mode<synchronous>, transform_indices = @transform_4, window_bounds = array<i64: 128, 64>}, {transform_indices = @transform_5, window_bounds = array<i64: 1024, 128>}, {transform_indices = @transform_6, window_bounds = array<i64: 1024, 64>}]} {
    %get3A = arith.constant 0 : index
    %get3A_0 = arith.constant 0 : index
    %get3A_1 = arith.constant 0 : index
    %get3A_2 = vector.load %arg2[%get3A, %get3A_0, %get3A_1] : memref<2x1024x128xf32, #tpu.memory_space<vmem>>, vector<1x1024x128xf32>
    %get3A_3 = vector.shape_cast %get3A_2 : vector<1x1024x128xf32> to vector<1024x128xf32>
    %get3A_4 = arith.constant 1 : index
    %get3A_5 = arith.constant 0 : index
    %get3A_6 = arith.constant 0 : index
    %get3A_7 = vector.load %arg2[%get3A_4, %get3A_5, %get3A_6] : memref<2x1024x128xf32, #tpu.memory_space<vmem>>, vector<1x1024x128xf32>
    %get3A_8 = vector.shape_cast %get3A_7 : vector<1x1024x128xf32> to vector<1024x128xf32>
    %add3A = arith.addf %get3A_3, %get3A_8 : vector<1024x128xf32>
    %get3A_9 = arith.constant 0 : index
    %get3A_10 = arith.constant 0 : index
    %get3A_11 = vector.load %arg3[%get3A_9, %get3A_10] : memref<2x1024xf32, #tpu.memory_space<vmem>>, vector<1x1024xf32>
    %get3A_12 = vector.shape_cast %get3A_11 : vector<1x1024xf32> to vector<1024xf32>
    %get3A_13 = arith.constant 1 : index
    %get3A_14 = arith.constant 0 : index
    %get3A_15 = vector.load %arg3[%get3A_13, %get3A_14] : memref<2x1024xf32, #tpu.memory_space<vmem>>, vector<1x1024xf32>
    %get3A_16 = vector.shape_cast %get3A_15 : vector<1x1024xf32> to vector<1024xf32>
    %add3A_17 = arith.addf %get3A_12, %get3A_16 : vector<1024xf32>
    %max3A = arith.constant 1.000000e+00 : f32
    %max3A_18 = vector.broadcast %max3A : f32 to vector<1024xf32>
    %max3A_19 = arith.maximumf %add3A_17, %max3A_18 : vector<1024xf32>
    %broadcast_in_dim3A = vector.shape_cast %max3A_19 : vector<1024xf32> to vector<1024x1xf32>
    %div3A = vector.broadcast %broadcast_in_dim3A : vector<1024x1xf32> to vector<1024x128xf32>
    %div3A_20 = arith.divf %add3A, %div3A : vector<1024x128xf32>
    %get3A_21 = arith.constant 0 : index
    %get3A_22 = arith.constant 0 : index
    %get3A_23 = vector.load %arg1[%get3A_21, %get3A_22] : memref<1024x128xf32, #tpu.memory_space<vmem>>, vector<1024x128xf32>
    %get3A_24 = arith.constant 0 : index
    %get3A_25 = arith.constant 0 : index
    %get3A_26 = vector.load %arg4[%get3A_24, %get3A_25] : memref<128x128xf32, #tpu.memory_space<vmem>>, vector<128x128xf32>
    %dot_general3A = arith.constant dense<0.000000e+00> : vector<1024x128xf32>
    %dot_general3A_27 = tpu.matmul %div3A_20, %get3A_26, %dot_general3A {dimension_numbers = #tpu.dot_dimension_numbers<[1], [0], [0], [1], [0, 0, 1, 1], [], []>, transpose_lhs_hint = false} : vector<1024x128xf32>, vector<128x128xf32>, vector<1024x128xf32> -> vector<1024x128xf32>
    %add3A_28 = arith.addf %get3A_23, %dot_general3A_27 : vector<1024x128xf32>
    %max3A_29 = arith.constant 0.000000e+00 : f32
    %max3A_30 = vector.broadcast %max3A_29 : f32 to vector<1024x128xf32>
    %max3A_31 = arith.maximumf %add3A_28, %max3A_30 : vector<1024x128xf32>
    %swap3A = arith.constant 0 : index
    %swap3A_32 = arith.constant 0 : index
    %swap3A_33 = vector.load %arg6[%swap3A, %swap3A_32] : memref<1024x128xf32, #tpu.memory_space<vmem>>, vector<1024x128xf32>
    tpu.vector_store %arg6[%swap3A, %swap3A_32], %max3A_31 {strides = array<i32>} : memref<1024x128xf32, #tpu.memory_space<vmem>>, vector<1024x128xf32>,
    %get3A_34 = arith.constant 0 : index
    %get3A_35 = arith.constant 0 : index
    %get3A_36 = vector.load %arg5[%get3A_34, %get3A_35] : memref<128x64xf32, #tpu.memory_space<vmem>>, vector<128x64xf32>
    %dot_general3A_37 = arith.constant dense<0.000000e+00> : vector<1024x64xf32>
    %dot_general3A_38 = tpu.matmul %max3A_31, %get3A_36, %dot_general3A_37 {dimension_numbers = #tpu.dot_dimension_numbers<[1], [0], [0], [1], [0, 0, 1, 1], [], []>, transpose_lhs_hint = false} : vector<1024x128xf32>, vector<128x64xf32>, vector<1024x64xf32> -> vector<1024x64xf32>
    %swap3A_39 = arith.constant 0 : index
    %swap3A_40 = arith.constant 0 : index
    %swap3A_41 = vector.load %arg7[%swap3A_39, %swap3A_40] : memref<1024x64xf32, #tpu.memory_space<vmem>>, vector<1024x64xf32>
    tpu.vector_store %arg7[%swap3A_39, %swap3A_40], %dot_general3A_38 {strides = array<i32>} : memref<1024x64xf32, #tpu.memory_space<vmem>>, vector<1024x64xf32>,
    return
  }
  func.func @transform_0(%arg0: i32) -> (i32, i32) {
    %c0_i32 = arith.constant 0 : i32
    %c0_i32_0 = arith.constant 0 : i32
    return %arg0, %c0_i32 : i32, i32
  }
  func.func @transform_1(%arg0: i32) -> (i32, i32, i32) {
    %c0_i32 = arith.constant 0 : i32
    %c0_i32_0 = arith.constant 0 : i32
    %c0_i32_1 = arith.constant 0 : i32
    return %c0_i32, %arg0, %c0_i32_0 : i32, i32, i32
  }
  func.func @transform_2(%arg0: i32) -> (i32, i32) {
    %c0_i32 = arith.constant 0 : i32
    %c0_i32_0 = arith.constant 0 : i32
    return %c0_i32, %arg0 : i32, i32
  }
  func.func @transform_3(%arg0: i32) -> (i32, i32) {
    %c0_i32 = arith.constant 0 : i32
    %c0_i32_0 = arith.constant 0 : i32
    %c0_i32_1 = arith.constant 0 : i32
    return %c0_i32, %c0_i32_0 : i32, i32
  }
  func.func @transform_4(%arg0: i32) -> (i32, i32) {
    %c0_i32 = arith.constant 0 : i32
    %c0_i32_0 = arith.constant 0 : i32
    %c0_i32_1 = arith.constant 0 : i32
    return %c0_i32, %c0_i32_0 : i32, i32
  }
  func.func @transform_5(%arg0: i32) -> (i32, i32) {
    %c0_i32 = arith.constant 0 : i32
    %c0_i32_0 = arith.constant 0 : i32
    return %arg0, %c0_i32 : i32, i32
  }
  func.func @transform_6(%arg0: i32) -> (i32, i32) {
    %c0_i32 = arith.constant 0 : i32
    %c0_i32_0 = arith.constant 0 : i32
    return %arg0, %c0_i32 : i32, i32
  }
}

module attributes {stable_mosaic.version = 14 : i64} {
  func.func @_tc0_body(%arg0: i32, %arg1: memref<1024x128xf32, #tpu.memory_space<vmem>>, %arg2: memref<128x64xf32, #tpu.memory_space<vmem>>, %arg3: memref<1x64xf32, #tpu.memory_space<vmem>>, %arg4: memref<1024x64xf32, #tpu.memory_space<vmem>>) attributes {dimension_semantics = [#tpu.dimension_semantics<arbitrary>], iteration_bounds = array<i64: 10>, scalar_prefetch = 0 : i64, scratch_operands = 0 : i64, tpu.core_type = #tpu.core_type<tc>, window_params = [{transform_indices = @transform_0, window_bounds = array<i64: 1024, 128>}, {pipeline_mode = #tpu.pipeline_mode<synchronous>, transform_indices = @transform_1, window_bounds = array<i64: 128, 64>}, {pipeline_mode = #tpu.pipeline_mode<synchronous>, transform_indices = @transform_2, window_bounds = array<i64: 1, 64>}, {transform_indices = @transform_3, window_bounds = array<i64: 1024, 64>}]} {
    %get3A = arith.constant 0 : index
    %get3A_0 = arith.constant 0 : index
    %get3A_1 = vector.load %arg1[%get3A, %get3A_0] : memref<1024x128xf32, #tpu.memory_space<vmem>>, vector<1024x128xf32>
    %get3A_2 = arith.constant 0 : index
    %get3A_3 = arith.constant 0 : index
    %get3A_4 = vector.load %arg2[%get3A_2, %get3A_3] : memref<128x64xf32, #tpu.memory_space<vmem>>, vector<128x64xf32>
    %dot_general3A = arith.constant dense<0.000000e+00> : vector<1024x64xf32>
    %dot_general3A_5 = tpu.matmul %get3A_1, %get3A_4, %dot_general3A {dimension_numbers = #tpu.dot_dimension_numbers<[1], [0], [0], [1], [0, 0, 1, 1], [], []>, transpose_lhs_hint = false} : vector<1024x128xf32>, vector<128x64xf32>, vector<1024x64xf32> -> vector<1024x64xf32>
    %get3A_6 = arith.constant 0 : index
    %get3A_7 = arith.constant 0 : index
    %get3A_8 = vector.load %arg3[%get3A_6, %get3A_7] : memref<1x64xf32, #tpu.memory_space<vmem>>, vector<1x64xf32>
    %add3A = vector.broadcast %get3A_8 : vector<1x64xf32> to vector<1024x64xf32>
    %add3A_9 = arith.addf %dot_general3A_5, %add3A : vector<1024x64xf32>
    %swap3A = arith.constant 0 : index
    %swap3A_10 = arith.constant 0 : index
    %swap3A_11 = vector.load %arg4[%swap3A, %swap3A_10] : memref<1024x64xf32, #tpu.memory_space<vmem>>, vector<1024x64xf32>
    tpu.vector_store %arg4[%swap3A, %swap3A_10], %add3A_9 {strides = array<i32>} : memref<1024x64xf32, #tpu.memory_space<vmem>>, vector<1024x64xf32>,
    return
  }
  func.func @transform_0(%arg0: i32) -> (i32, i32) {
    %c0_i32 = arith.constant 0 : i32
    %c0_i32_0 = arith.constant 0 : i32
    return %arg0, %c0_i32 : i32, i32
  }
  func.func @transform_1(%arg0: i32) -> (i32, i32) {
    %c0_i32 = arith.constant 0 : i32
    %c0_i32_0 = arith.constant 0 : i32
    %c0_i32_1 = arith.constant 0 : i32
    return %c0_i32, %c0_i32_0 : i32, i32
  }
  func.func @transform_2(%arg0: i32) -> (i32, i32) {
    %c0_i32 = arith.constant 0 : i32
    %c0_i32_0 = arith.constant 0 : i32
    %c0_i32_1 = arith.constant 0 : i32
    return %c0_i32, %c0_i32_0 : i32, i32
  }
  func.func @transform_3(%arg0: i32) -> (i32, i32) {
    %c0_i32 = arith.constant 0 : i32
    %c0_i32_0 = arith.constant 0 : i32
    return %arg0, %c0_i32 : i32, i32
  }
}

module attributes {stable_mosaic.version = 14 : i64} {
  func.func @_tc2_body(%arg0: i32, %arg1: memref<1024x64xf32, #tpu.memory_space<vmem>>, %arg2: memref<2x1024x64xf32, #tpu.memory_space<vmem>>, %arg3: memref<2x1024xf32, #tpu.memory_space<vmem>>, %arg4: memref<1024x64xf32, #tpu.memory_space<vmem>>) attributes {dimension_semantics = [#tpu.dimension_semantics<arbitrary>], iteration_bounds = array<i64: 10>, scalar_prefetch = 0 : i64, scratch_operands = 0 : i64, tpu.core_type = #tpu.core_type<tc>, window_params = [{transform_indices = @transform_0, window_bounds = array<i64: 1024, 64>}, {transform_indices = @transform_1, window_bounds = array<i64: 2, 1024, 64>}, {transform_indices = @transform_2, window_bounds = array<i64: 2, 1024>}, {transform_indices = @transform_3, window_bounds = array<i64: 1024, 64>}]} {
    %get3A = arith.constant 0 : index
    %get3A_0 = arith.constant 0 : index
    %get3A_1 = arith.constant 0 : index
    %get3A_2 = vector.load %arg2[%get3A, %get3A_0, %get3A_1] : memref<2x1024x64xf32, #tpu.memory_space<vmem>>, vector<1x1024x64xf32>
    %get3A_3 = vector.shape_cast %get3A_2 : vector<1x1024x64xf32> to vector<1024x64xf32>
    %get3A_4 = arith.constant 1 : index
    %get3A_5 = arith.constant 0 : index
    %get3A_6 = arith.constant 0 : index
    %get3A_7 = vector.load %arg2[%get3A_4, %get3A_5, %get3A_6] : memref<2x1024x64xf32, #tpu.memory_space<vmem>>, vector<1x1024x64xf32>
    %get3A_8 = vector.shape_cast %get3A_7 : vector<1x1024x64xf32> to vector<1024x64xf32>
    %add3A = arith.addf %get3A_3, %get3A_8 : vector<1024x64xf32>
    %get3A_9 = arith.constant 0 : index
    %get3A_10 = arith.constant 0 : index
    %get3A_11 = vector.load %arg3[%get3A_9, %get3A_10] : memref<2x1024xf32, #tpu.memory_space<vmem>>, vector<1x1024xf32>
    %get3A_12 = vector.shape_cast %get3A_11 : vector<1x1024xf32> to vector<1024xf32>
    %get3A_13 = arith.constant 1 : index
    %get3A_14 = arith.constant 0 : index
    %get3A_15 = vector.load %arg3[%get3A_13, %get3A_14] : memref<2x1024xf32, #tpu.memory_space<vmem>>, vector<1x1024xf32>
    %get3A_16 = vector.shape_cast %get3A_15 : vector<1x1024xf32> to vector<1024xf32>
    %add3A_17 = arith.addf %get3A_12, %get3A_16 : vector<1024xf32>
    %get3A_18 = arith.constant 0 : index
    %get3A_19 = arith.constant 0 : index
    %get3A_20 = vector.load %arg1[%get3A_18, %get3A_19] : memref<1024x64xf32, #tpu.memory_space<vmem>>, vector<1024x64xf32>
    %max3A = arith.constant 1.000000e+00 : f32
    %max3A_21 = vector.broadcast %max3A : f32 to vector<1024xf32>
    %max3A_22 = arith.maximumf %add3A_17, %max3A_21 : vector<1024xf32>
    %broadcast_in_dim3A = vector.shape_cast %max3A_22 : vector<1024xf32> to vector<1024x1xf32>
    %div3A = vector.broadcast %broadcast_in_dim3A : vector<1024x1xf32> to vector<1024x64xf32>
    %div3A_23 = arith.divf %add3A, %div3A : vector<1024x64xf32>
    %add3A_24 = arith.addf %get3A_20, %div3A_23 : vector<1024x64xf32>
    %swap3A = arith.constant 0 : index
    %swap3A_25 = arith.constant 0 : index
    %swap3A_26 = vector.load %arg4[%swap3A, %swap3A_25] : memref<1024x64xf32, #tpu.memory_space<vmem>>, vector<1024x64xf32>
    tpu.vector_store %arg4[%swap3A, %swap3A_25], %add3A_24 {strides = array<i32>} : memref<1024x64xf32, #tpu.memory_space<vmem>>, vector<1024x64xf32>,
    return
  }
  func.func @transform_0(%arg0: i32) -> (i32, i32) {
    %c0_i32 = arith.constant 0 : i32
    %c0_i32_0 = arith.constant 0 : i32
    return %arg0, %c0_i32 : i32, i32
  }
  func.func @transform_1(%arg0: i32) -> (i32, i32, i32) {
    %c0_i32 = arith.constant 0 : i32
    %c0_i32_0 = arith.constant 0 : i32
    %c0_i32_1 = arith.constant 0 : i32
    return %c0_i32, %arg0, %c0_i32_0 : i32, i32, i32
  }
  func.func @transform_2(%arg0: i32) -> (i32, i32) {
    %c0_i32 = arith.constant 0 : i32
    %c0_i32_0 = arith.constant 0 : i32
    return %c0_i32, %arg0 : i32, i32
  }
  func.func @transform_3(%arg0: i32) -> (i32, i32) {
    %c0_i32 = arith.constant 0 : i32
    %c0_i32_0 = arith.constant 0 : i32
    return %arg0, %c0_i32 : i32, i32
  }
}

</mosaic_0001>

<sc_bundles>
// kernel: kernel.11.cloned.1.call-start
scs
__scs_entry_jumppad:
0x0: {  	(pc) =	sbr.rel $0x88, $3  }
0x1: {  	(tag) =	ssettag $0x0;
	lr =	simm.s32 $0x1  }
0x2: {  	[smem:$0x3F99] =	sst lr;
	_ =	strace $0xD0000000  }
0x3: {  	_ = 	snop  }
0x4: {  	_ = 	snop  }
0x5: {  	_ = 	snop  }
0x6: {  	_ = 	snop  }
0x7: {  	_ = 	snop  }
__scs_overlays_trampoline_lowered:
0x8: {  	[smem:$0x3FA8] =	sst s0  }
0x9: {  	[smem:$0x3FA9] =	sst s1  }
0xa: {  	[smem:$0x3FAA] =	sst s2  }
0xb: {  	[smem:$0x3FAB] =	sst s3  }
0xc: {  	[smem:$0x3FAC] =	sst s4  }
0xd: {  	[smem:$0x3FAD] =	sst s5  }
0xe: {  	[smem:$0x3FAE] =	sst s6  }
0xf: {  	[smem:$0x3FAF] =	sst s7  }
0x10: {  	[smem:$0x3FB0] =	sst s8  }
0x11: {  	[smem:$0x3FB1] =	sst s9;
	s0 =	simm.s32 @!p0 $0x0  }
0x12: {  	s1 =	sld [smem:$0x3F97];
	s0 =	simm.s32 @p0 $0x1  }
0x13: {  	[smem:$0x3FB2] =	sst s0;
	s0 =	simm.s32 @!p1 $0x0  }
0x14: {  	s2 =	sld [smem:$0x3F96];
	s0 =	simm.s32 @p1 $0x1  }
0x15: {  	[smem:$0x3FB3] =	sst s0;
	s0 =	simm.s32 @!p2 $0x0  }
0x16: {  	s3 =	sld [smem:$0x3FDB];
	s0 =	simm.s32 @p2 $0x1  }
0x17: {  	s4 =	simm.s32 $0x1BF5;
	[smem:$0x3FB5] =	sst s0  }
0x18: {  	s0 =	sld [smem:$0x3F98];
	_ =	swait.ge [sflag:s4], $0x0  }
0x19: {  	s7 =	sld [smem:$0x3F99]  }
0x1a: {  	s8 =	sadd.s32 $0xFFFFE003, lr  }
0x1b: {  	s9 =	sadd.s32 $0xFFFFFEF7, lr;
	s5 =	simm.s32 $0xFFFFFFFF;
	p2 =	slt.u32 s8, $0xFFFFF086  }
0x1c: {  	p1 =	slt.u32 s9, $0xF7A;
	s5 =	simm.s32 @!p2 $0x0  }
0x1d: {  	s5 =	simm.s32 @p1 $0x1;
	p0 =	seq.s32 s7, s2  }
0x1e: {  	s7 =	smul.u32 @!p0 $0xF7A, s2;
	p2 =	seq.s32 @!p0 s5, $0x0  }
0x1f: {  	s9 =	smul.u32 $0xF7A, s1;
	s8 =	simm.s32 @!p0 $0x1BF5;
	p2 =	por !p2, p0  }
0x20: {  	[sflag:s8] =	ssyncset.s32 @!p0 $0xFFFFF086;
	s6 =	sadd.s32 @!p0 s3, s7;
	s7 =	simm.s32 @!p0 $0x108  }
0x21: {  	s3 =	sadd.s32 s3, s9;
	s6 =	sadd.s32 @!p0 $0x88, s6;
	s7 =	simm.s32 @p2 $0x1082  }
0x22: {  	[simem:s7], [sflag:s8] =	dma.local @!p0 [hbm:s6], $0xF7A  }
0x23: {  	s9 =	sor.u32 $0xD0000000, s2;
	s6 =	simm.s32 $0x108;
	_ =	swait.ge @!p0 [sflag:s8], $0x0  }
0x24: {  	s3 =	sadd.s32 $0x88, s3;
	s6 =	simm.s32 @!p1 $0x1082;
	[sflag:s4] =	ssyncset.s32 $0xFFFFF086  }
0x25: {  	[simem:s6], [sflag:s4] =	dma.local [hbm:s3], $0xF7A  }
0x26: {  	[smem:$0x3F99] =	sst s1;
	(tag) =	ssettag s2;
	_ =	strace s9  }
0x27: {  	s1 =	sld [smem:$0x3FA9]  }
0x28: {  	s2 =	sld [smem:$0x3FAA]  }
0x29: {  	s4 =	sld [smem:$0x3FAC]  }
0x2a: {  	p0 =	seq.s32 s5, $0x0;
	s5 =	sld [smem:$0x3FAD]  }
0x2b: {  	s6 =	sld [smem:$0x3FAE]  }
0x2c: {  	s7 =	sld [smem:$0x3FAF]  }
0x2d: {  	s3 =	simm.s32 $0x108;
	s8 =	sld [smem:$0x3FB0]  }
0x2e: {  	s3 =	simm.s32 @!p0 $0x1082;
	s9 =	sld [smem:$0x3FB1]  }
0x2f: {  	lr =	sadd.s32 s0, s3;
	s0 =	sld [smem:$0x3FA8]  }
0x30: {  	s3 =	sld [smem:$0x3FAB]  }
0x31: {  	[smem:$0x3FB4] =	sst s10  }
0x32: {  	s10 =	sld [smem:$0x3FB2];
	_ =	sdelay $0x3  }
0x33: {  	p0 =	seq.s32 s10, $0x1;
	s10 =	sld [smem:$0x3FB4];
	_ =	sdelay $0x3  }
0x34: {  	[smem:$0x3FB4] =	sst s10  }
0x35: {  	s10 =	sld [smem:$0x3FB3];
	_ =	sdelay $0x3  }
0x36: {  	p1 =	seq.s32 s10, $0x1;
	s10 =	sld [smem:$0x3FB4];
	_ =	sdelay $0x3  }
0x37: {  	[smem:$0x3FB4] =	sst s10  }
0x38: {  	s10 =	sld [smem:$0x3FB5]  }
0x39: {  	_ = 	snop;
	(pc) =	sbr.ind lr, $3  }
0x3a: {  	_ = 	snop  }
0x3b: {  	_ = 	snop  }
0x3c: {  	p2 =	seq.s32 s10, $0x1;
	s10 =	sld [smem:$0x3FB4]  }
0x3d: {  	_ =	shalt  }
0x3e: {  	_ =	shalt  }
0x3f: {  	_ =	shalt  }
0x40: {  	_ =	shalt  }
0x41: {  	_ =	shalt  }
0x42: {  	_ =	shalt  }
0x43: {  	_ =	shalt  }
0x44: {  	_ =	shalt  }
0x45: {  	_ =	shalt  }
0x46: {  	_ =	shalt  }
0x47: {  	_ =	shalt  }
0x48: {  	_ =	shalt  }
0x49: {  	_ =	shalt  }
0x4a: {  	_ =	shalt  }
0x4b: {  	_ =	shalt  }
0x4c: {  	_ =	shalt  }
0x4d: {  	_ =	shalt  }
0x4e: {  	_ =	shalt  }
0x4f: {  	_ =	shalt  }
0x50: {  	_ =	shalt  }
0x51: {  	_ =	shalt  }
0x52: {  	_ =	shalt  }
0x53: {  	_ =	shalt  }
0x54: {  	_ =	shalt  }
0x55: {  	_ =	shalt  }
0x56: {  	_ =	shalt  }
0x57: {  	_ =	shalt  }
0x58: {  	_ =	shalt  }
0x59: {  	_ =	shalt  }
0x5a: {  	_ =	shalt  }
0x5b: {  	_ =	shalt  }
0x5c: {  	_ =	shalt  }
0x5d: {  	_ =	shalt  }
0x5e: {  	_ =	shalt  }
0x5f: {  	_ =	shalt  }
0x60: {  	_ =	shalt  }
0x61: {  	_ =	shalt  }
0x62: {  	_ =	shalt  }
0x63: {  	_ =	shalt  }
0x64: {  	_ =	shalt  }
0x65: {  	_ =	shalt  }
0x66: {  	_ =	shalt  }
0x67: {  	_ =	shalt  }
0x68: {  	_ =	shalt  }
0x69: {  	_ =	shalt  }
0x6a: {  	_ =	shalt  }
0x6b: {  	_ =	shalt  }
0x6c: {  	_ =	shalt  }
0x6d: {  	_ =	shalt  }
0x6e: {  	_ =	shalt  }
0x6f: {  	_ =	shalt  }
0x70: {  	_ =	shalt  }
0x71: {  	_ =	shalt  }
0x72: {  	_ =	shalt  }
0x73: {  	_ =	shalt  }
0x74: {  	_ =	shalt  }
0x75: {  	_ =	shalt  }
0x76: {  	_ =	shalt  }
0x77: {  	_ =	shalt  }
0x78: {  	_ =	shalt  }
0x79: {  	_ =	shalt  }
0x7a: {  	_ =	shalt  }
0x7b: {  	_ =	shalt  }
0x7c: {  	_ =	shalt  }
0x7d: {  	_ =	shalt  }
0x7e: {  	_ =	shalt  }
0x7f: {  	_ =	shalt  }
0x80: {  	_ =	shalt  }
0x81: {  	_ =	shalt  }
0x82: {  	_ =	shalt  }
0x83: {  	_ =	shalt  }
0x84: {  	_ =	shalt  }
0x85: {  	_ =	shalt  }
0x86: {  	_ =	shalt  }
0x87: {  	_ =	shalt  }
.Lfunc_end0:
.L_simem_size_0:
called_computation.1_lowered:
.L_overlay_start_0:
0x88: {  	s2 =	sld [smem:$0x3FD9]  }
0x89: {  	s3 =	sld [smem:$0x3FFE];
	_ =	sdelay $0x1  }
0x8a: {  	s1 =	srdreg.scid  }
0x8b: {  	s0 =	sand.u32 $0x1, s1  }
0x8c: {  	s17 =	sshll.u32 s0, $0xA;
	s2 =	sadd.s32 s3, s2  }
0x8d: {  	s2 =	sadd.s32 s2, s17  }
0x8e: {  	[smem:$0x3FC0] =	sst s2  }
0x8f: {  	_ = 	snop  }
0x90: {  	s2 =	sld [smem:$0x3FD0];
	(tm) =	ssettm $0x1  }
0x91: {  	s18 =	sld [smem:$0x3FFB];
	_ =	sdelay $0x3  }
0x92: {  	_ =	strace s18  }
0x93: {  	s3 =	sld [smem:$0x3FFC];
	_ =	sdelay $0x3  }
0x94: {  	_ =	strace s3  }
0x95: {  	s3 =	sld [smem:$0x3FFD];
	_ =	sdelay $0x3  }
0x96: {  	_ =	strace s3  }
0x97: {  	_ =	strace $0x8FFFFFFF  }
0x98: {  	s19 =	sld [smem:$0x3FDB];
	_ =	sdelay $0x1  }
0x99: {  	s4 =	simm.s32 $_scs_section_size  }
0x9a: {  	s5 =	simm.s32 $_size__tile_overlayer_lowered;
	s6 =	simm.s32 $_tile_overlayer_lowered  }
0x9b: {  	s22 =	simm.s32 $0x1BFF;
	s21 =	sshll.u32 s6, $0x1;
	s3 =	sadd.s32 s4, s19  }
0x9c: {  	s7 =	simm.s32 $0x0;
	s20 =	sshll.u32 s5, $0x1;
	s5 =	sadd.s32 s21, s3  }
0x9d: {  	[timem:s7], [sflag:s22] =	dma.local [hbm:s5], s20  }
0x9e: {  	_ =	swait.ge [sflag:s22], s20  }
0x9f: {  	s4 =	ssub.s32 $0x0, s20;
	[sflag:s22] =	ssyncset.done $0x0  }
0xa0: {  	[sflag:s22] =	ssyncadd.s32 s4;
	_ =	sdelay $0x1  }
0xa1: {  	s23 =	simm.s32 $0x1B8B  }
0xa2: {  	_ =	swait.ge [sflag:s23], $0x1  }
0xa3: {  	[sflag:s23] =	ssyncset.done $0x0  }
0xa4: {  	s25 =	simm.s32 $0x1B8E;
	s24 =	sld [smem:$0x3FFE];
	[sflag:s23] =	ssyncadd.s32 $0xFFFFFFFF  }
0xa5: {  	s26 =	simm.s32 $execute0_lowered;
	[smem:$0x3FD2] =	sst s25  }
0xa6: {  	s5 =	sshll.u32 s26, $0x1;
	_ =	strace $0x80000049;
	[dreg:$0x1] =	wrdreg $0xFFFFFFFF  }
0xa7: {  	s28 =	simm.s32 $_size_execute0_lowered;
	s3 =	sadd.s32 s3, s5;
	[dreg:$0x0] =	wrdreg $0x0  }
0xa8: {  	s5 =	sshll.u32 s28, $0x1;
	[dreg:$0x2] =	wrdreg s3  }
0xa9: {  	[dreg:$0x3] =	wrdreg s5  }
0xaa: {  	[dreg:$0x4] =	wrdreg $0xC0  }
0xab: {  	_ =	task [dreg:s7], $0x5FFFF  }
0xac: {  	[dreg:$0x1] =	wrdreg $0xFFFFFFFF  }
0xad: {  	[dreg:$0x0] =	wrdreg $0x60  }
0xae: {  	[dreg:$0x2] =	wrdreg s2  }
0xaf: {  	[dreg:$0x3] =	wrdreg s24  }
0xb0: {  	[dreg:$0x4] =	wrdreg $0x6C000  }
0xb1: {  	[dreg:$0x5] =	wrdreg $0x9  }
0xb2: {  	_ =	task.clear_ibuf [dreg:s7], $0x6FFFF;
	_ =	strace $0x90000049  }
0xb3: {  	s29 =	simm.s32 $0x9;
	_ =	strace $0x8000004B  }
0xb4: {  	_ =	swait.ge [sflag:s29], $0x1  }
0xb5: {  	[sflag:s29] =	ssyncadd.s32 $0xFFFFFFFF  }
0xb6: {  	_ =	strace $0x9000004B  }
0xb7: {  	_ =	sfence  }
0xb8: {  	s30 =	sld [smem:$0x0];
	_ =	sdelay $0x2  }
0xb9: {  	s31 =	sshll.u32 s1, $0xD;
	s1 =	sshrl.u32 s1, $0x2  }
0xba: {  	s3 =	sand.u32 $0x4000, s31;
	s1 =	sadd.s32 s1, s30  }
0xbb: {  	s0 =	sor.u32 s3, s0;
	s1 =	sshll.u32 s1, $0x11  }
0xbc: {  	s0 =	sor.u32 s1, s0  }
0xbd: {  	s0 =	sadd.s32 $0x8F2B, s0  }
0xbe: {  	[sflag:s0] =	ssyncadd.remote.s32 $0x1  }
0xbf: {  	_ =	sfence.sel $0xFFFF  }
0xc0: {  	[dreg:$0x0] =	wrdreg $0xFFFFFFFF;
	(pc) =	sbr.abs _section_cstart, $3  }
0xc1: {  	[dreg:$0x1] =	wrdreg $0xFFFFFFFF  }
0xc2: {  	_ =	task.clear_ibuf [dreg:s7], $0x2FFFF;
	_ =	strace $0x9FFFFFFF  }
0xc3: {  	(tm) =	ssettm $0x7FFFFFFF  }
tec
execute0_lowered:
.L_overlay_start_1:
0x0: {  	(tag) =	ssettag $0x1  }
0x1: {  	s1 =	rddreg [dreg:$0x0]  }
0x2: {  	s5 =	rddreg [dreg:$0x1]  }
0x3: {  	s2 =	rddreg [dreg:$0x2]  }
0x4: {  	s0 =	rddreg [dreg:$0x3];
	s4 =	simm.s32 $0x0;
	s3 =	srdreg.scid  }
0x5: {  	s16 =	simm.s32 $0x2800;
	s17 =	simm.s32 $0x4800;
	s18 =	simm.s32 $0x1  }
0x6: {  	s19 =	simm.s32 $0x2;
	s20 =	simm.s32 $0x1380;
	s21 =	simm.s32 $0x2700  }
0x7: {  	s22 =	simm.s32 $0x2780;
	[smem:$0x7FF] =	sst s4;
	s6 =	sand.u32 $0x1, s3  }
0x8: {  	s3 =	stileid.u32;
	s8 =	sadd.s32 $0x1C00, s5;
	s7 =	smul.u32 $0xA0000, s6  }
0x9: {  	s9 =	sadd.s32 $0xBC00, s5;
	s11 =	smul.u32 $0xA000, s3;
	s10 =	sshll.u32 s6, $0x4  }
0xa: {  	s12 =	smul.u32 $0x28000, s3;
	s6 =	ssub.s32 $0x2, s6;
	s10 =	sor.u32 s3, s10  }
0xb: {  	_ =	strace $0x8000004A;
	s28 =	sshrl.u32 s6, $0x1;
	s13 =	smul.u32 $0x2800, s10  }
0xc: {  	s7 =	sadd.s32 s11, s7;
	s29 =	smul.u32 $0x500, s10;
	s15 =	ssub.s32 s6, s28  }
0xd: {  	s30 =	sshrl.u32 s12, $0x2;
	s23 =	sadd.s32 s11, s2;
	s12 =	simm.s32 $0x6800  }
0xe: {  	s7 =	sshrl.u32 s7, $0x3;
	s11 =	smax.u32 s15, $0x1;
	s15 =	simm.s32 $0x80  }
0xf: {  	s23 =	sshrl.u32 s23, $0x3;
	s14 =	sadd.s32 s7, s5;
	s31 =	sshrl.u32 s13, $0x3  }
0x10: {  	s5 =	sadd.s32 s30, s2;
	s6 =	sadd.s32 s8, s29;
	s10 =	sadd.s32 $0x280, s31  }
0x11: {  	s7 =	sadd.s32 s9, s29;
	s13 =	simm.s32 $0x3;
	s8 =	sadd.s32 s8, s10  }
0x12: {  	v0 =	vimm.f32 $0.0e+00;
	s9 =	sadd.s32 s9, s10;
	s10 =	sadd.s32 $0x15C00, s14;
	s14 =	simm.s32 $0x1400  }
.LBB2_1:
0x13: {  	[tilespmem:$0x6800] =	vst v0  }
0x14: {  	[tilespmem:$0x6810] =	vst v0  }
0x15: {  	[tilespmem:$0x6820] =	vst v0  }
0x16: {  	[tilespmem:$0x6830] =	vst v0  }
0x17: {  	[tilespmem:$0x6840] =	vst v0  }
0x18: {  	[tilespmem:$0x6850] =	vst v0  }
0x19: {  	[tilespmem:$0x6860] =	vst v0  }
0x1a: {  	[tilespmem:$0x6870] =	vst v0  }
0x1b: {  	[tilespmem:$0x6880] =	vst v0  }
0x1c: {  	[tilespmem:$0x6890] =	vst v0  }
0x1d: {  	[tilespmem:$0x68A0] =	vst v0  }
0x1e: {  	[tilespmem:$0x68B0] =	vst v0  }
0x1f: {  	[tilespmem:$0x68C0] =	vst v0  }
0x20: {  	[tilespmem:$0x68D0] =	vst v0  }
0x21: {  	[tilespmem:$0x68E0] =	vst v0  }
0x22: {  	[tilespmem:$0x68F0] =	vst v0  }
0x23: {  	[tilespmem:$0x6900] =	vst v0  }
0x24: {  	[tilespmem:$0x6910] =	vst v0  }
0x25: {  	[tilespmem:$0x6920] =	vst v0  }
0x26: {  	[tilespmem:$0x6930] =	vst v0  }
0x27: {  	[tilespmem:$0x6940] =	vst v0  }
0x28: {  	[tilespmem:$0x6950] =	vst v0  }
0x29: {  	[tilespmem:$0x6960] =	vst v0  }
0x2a: {  	[tilespmem:$0x6970] =	vst v0  }
0x2b: {  	[tilespmem:$0x6980] =	vst v0  }
0x2c: {  	[tilespmem:$0x6990] =	vst v0  }
0x2d: {  	[tilespmem:$0x69A0] =	vst v0  }
0x2e: {  	[tilespmem:$0x69B0] =	vst v0  }
0x2f: {  	[tilespmem:$0x69C0] =	vst v0  }
0x30: {  	[tilespmem:$0x69D0] =	vst v0  }
0x31: {  	[tilespmem:$0x69E0] =	vst v0  }
0x32: {  	[tilespmem:$0x69F0] =	vst v0  }
0x33: {  	[tilespmem:$0x6A00] =	vst v0  }
0x34: {  	[tilespmem:$0x6A10] =	vst v0  }
0x35: {  	[tilespmem:$0x6A20] =	vst v0  }
0x36: {  	[tilespmem:$0x6A30] =	vst v0  }
0x37: {  	[tilespmem:$0x6A40] =	vst v0  }
0x38: {  	[tilespmem:$0x6A50] =	vst v0  }
0x39: {  	[tilespmem:$0x6A60] =	vst v0  }
0x3a: {  	[tilespmem:$0x6A70] =	vst v0  }
0x3b: {  	[tilespmem:$0x6A80] =	vst v0  }
0x3c: {  	[tilespmem:$0x6A90] =	vst v0  }
0x3d: {  	[tilespmem:$0x6AA0] =	vst v0  }
0x3e: {  	[tilespmem:$0x6AB0] =	vst v0  }
0x3f: {  	[tilespmem:$0x6AC0] =	vst v0  }
0x40: {  	[tilespmem:$0x6AD0] =	vst v0  }
0x41: {  	[tilespmem:$0x6AE0] =	vst v0  }
0x42: {  	[tilespmem:$0x6AF0] =	vst v0  }
0x43: {  	[tilespmem:$0x6B00] =	vst v0  }
0x44: {  	[tilespmem:$0x6B10] =	vst v0  }
0x45: {  	[tilespmem:$0x6B20] =	vst v0  }
0x46: {  	[tilespmem:$0x6B30] =	vst v0  }
0x47: {  	[tilespmem:$0x6B40] =	vst v0  }
0x48: {  	[tilespmem:$0x6B50] =	vst v0  }
0x49: {  	[tilespmem:$0x6B60] =	vst v0  }
0x4a: {  	[tilespmem:$0x6B70] =	vst v0  }
0x4b: {  	[tilespmem:$0x6B80] =	vst v0  }
0x4c: {  	[tilespmem:$0x6B90] =	vst v0  }
0x4d: {  	[tilespmem:$0x6BA0] =	vst v0  }
0x4e: {  	[tilespmem:$0x6BB0] =	vst v0  }
0x4f: {  	[tilespmem:$0x6BC0] =	vst v0  }
0x50: {  	[tilespmem:$0x6BD0] =	vst v0  }
0x51: {  	[tilespmem:$0x6BE0] =	vst v0  }
0x52: {  	[tilespmem:$0x6BF0] =	vst v0;
	s24 =	sadd.s32 $0x0, s5  }
0x53: {  	[spmem:s24] =	stream.linear.scatter [tilespmem:s12], [sflag:$0x3], $0x400, $0x38;
	[tilespmem:$0x10C00] =	vst v63  }
0x54: {  	s24 =	simm.s32 $0x1000;
	_ =	swait.ge [sflag:s13], $0x400  }
.LBB2_2:
0x55: {  	s25 =	sshra.s32 s24, $0x2;
	[sflag:s13] =	ssyncset.done $0x0;
	p0 =	sne.s32 s24, $0x27000  }
.Ltmp0:
0x56: {  	s25 =	sadd.s32 s25, s5;
	[sflag:s13] =	ssyncadd.s32 $0xFFFFFC00;
	(pc) =	sbr.rel @p0 .LBB2_2-.Ltmp0, $3  }
0x57: {  	[spmem:s25] =	stream.linear.scatter [tilespmem:s12], [sflag:$0x3], $0x400, $0x38;
	[tilespmem:$0x10C00] =	vst v63  }
0x58: {  	s24 =	sadd.s32 $0x1000, s24;
	_ =	sdelay $0x1  }
0x59: {  	_ =	swait.ge [sflag:s13], $0x400  }
0x5a: {  	[sflag:s13] =	ssyncset.done $0x0  }
0x5b: {  	[sflag:s13] =	ssyncadd.s32 $0xFFFFFC00  }
0x5c: {  	s24 =	simm.s32 $0x0;
	[bflag:$0x0] =	sbarrier.arrive $0xFFFF  }
0x5d: {  	[tilespmem:s24], [sflag:$0x3] =	stream.linear.gather [hbm4b:s6+s24], $0x1400, $0x38;
	[tilespmem:$0x10C00] =	vst v63  }
0x5e: {  	_ =	swait.ge [sflag:s13], $0x1400  }
0x5f: {  	[sflag:s13] =	ssyncset.done $0x0  }
0x60: {  	[sflag:s13] =	ssyncadd.s32 $0xFFFFEC00  }
0x61: {  	[tilespmem:s14], [sflag:$0x3] =	stream.linear.gather [hbm4b:s7+s24], $0x1400, $0x38;
	[tilespmem:$0x10C00] =	vst v63  }
0x62: {  	_ =	swait.ge [sflag:s13], $0x1400  }
0x63: {  	[sflag:s13] =	ssyncset.done $0x0  }
0x64: {  	[sflag:s13] =	ssyncadd.s32 $0xFFFFEC00  }
0x65: {  	[tilespmem:s16], [sflag:$0x1] =	stream.indirect.gather [hbm4b:s1+s15], $0x40, s24, s15, $0xb8;
	[tilespmem:$0x10C00] =	vst v63  }
0x66: {  	s28 =	simm.s32 $0x80  }
0x67: {  	[tilespmem:s17], [sflag:$0x2] =	stream.indirect.gather [hbm4b:s1+s15], $0x40, s28, s15, $0xb8;
	[tilespmem:$0x10C00] =	vst v63  }
0x68: {  	_ =	swait.ge [sflag:s18], $0x2000  }
0x69: {  	[sflag:s18] =	ssyncset.done $0x0  }
0x6a: {  	s29 =	simm.s32 $0x1400;
	[sflag:s18] =	ssyncadd.s32 $0xFFFFE000  }
0x6b: {  	[spmem:s2] =	stream.indirect.scatter.add.f32 [tilespmem:s16], [sflag:$0x3], $0x40, s29, s15, $0xb8;
	[tilespmem:$0x10C00] =	vst v63  }
0x6c: {  	_ =	swait.ge [sflag:s13], $0x2000  }
0x6d: {  	[sflag:s13] =	ssyncset.done $0x0  }
0x6e: {  	s30 =	simm.s32 $0x100;
	[sflag:s13] =	ssyncadd.s32 $0xFFFFE000  }
0x6f: {  	[tilespmem:s16], [sflag:$0x1] =	stream.indirect.gather [hbm4b:s1+s15], $0x40, s30, s15, $0xb8;
	[tilespmem:$0x10C00] =	vst v63  }
0x70: {  	_ =	swait.ge [sflag:s19], $0x2000  }
0x71: {  	[sflag:s19] =	ssyncset.done $0x0  }
0x72: {  	s31 =	simm.s32 $0x1480;
	[sflag:s19] =	ssyncadd.s32 $0xFFFFE000  }
0x73: {  	[spmem:s2] =	stream.indirect.scatter.add.f32 [tilespmem:s17], [sflag:$0x3], $0x40, s31, s15, $0xb8;
	[tilespmem:$0x10C00] =	vst v63  }
0x74: {  	_ =	swait.ge [sflag:s13], $0x2000  }
0x75: {  	s25 =	simm.s32 $0x800;
	s24 =	simm.s32 $0x100;
	[sflag:s13] =	ssyncset.done $0x0  }
.LBB2_4:
0x76: {  	s26 =	sadd.s32 $0x80, s24  }
0x77: {  	[sflag:s13] =	ssyncadd.s32 $0xFFFFE000;
	s28 =	smov.u32 s25;
	s29 =	sadd.s32 $0x400, s25  }
0x78: {  	[tilespmem:s17], [sflag:$0x2] =	stream.indirect.gather [hbm4b:s1+s15], $0x40, s26, s15, $0xb8;
	[tilespmem:$0x10C00] =	vst v63  }
0x79: {  	p0 =	sne.s32 s25, $0x4800;
	_ =	swait.ge [sflag:s18], $0x2000  }
0x7a: {  	[sflag:s18] =	ssyncset.done $0x0  }
0x7b: {  	s25 =	sadd.s32 $0x1400, s24;
	[sflag:s18] =	ssyncadd.s32 $0xFFFFE000  }
0x7c: {  	[spmem:s2] =	stream.indirect.scatter.add.f32 [tilespmem:s16], [sflag:$0x3], $0x40, s25, s15, $0xb8;
	[tilespmem:$0x10C00] =	vst v63  }
0x7d: {  	_ =	swait.ge [sflag:s13], $0x2000  }
0x7e: {  	[sflag:s13] =	ssyncset.done $0x0  }
0x7f: {  	s25 =	sadd.s32 $0x100, s24;
	[sflag:s13] =	ssyncadd.s32 $0xFFFFE000  }
0x80: {  	[tilespmem:s16], [sflag:$0x1] =	stream.indirect.gather [hbm4b:s1+s15], $0x40, s25, s15, $0xb8;
	[tilespmem:$0x10C00] =	vst v63  }
0x81: {  	_ =	swait.ge [sflag:s19], $0x2000  }
.Ltmp1:
0x82: {  	[sflag:s19] =	ssyncset.done $0x0;
	(pc) =	sbr.rel @p0 .LBB2_4-.Ltmp1, $4  }
0x83: {  	s24 =	sadd.s32 $0x1480, s24;
	[sflag:s19] =	ssyncadd.s32 $0xFFFFE000  }
0x84: {  	[spmem:s2] =	stream.indirect.scatter.add.f32 [tilespmem:s17], [sflag:$0x3], $0x40, s24, s15, $0xb8;
	[tilespmem:$0x10C00] =	vst v63  }
0x85: {  	_ =	swait.ge [sflag:s13], $0x2000  }
0x86: {  	s25 =	smov.u32 s29;
	s24 =	sshra.s32 s28, $0x2;
	[sflag:s13] =	ssyncset.done $0x0  }
0x87: {  	s25 =	sadd.s32 $0x80, s24;
	[sflag:s13] =	ssyncadd.s32 $0xFFFFE000  }
0x88: {  	[tilespmem:s17], [sflag:$0x2] =	stream.indirect.gather [hbm4b:s1+s15], $0x40, s25, s15, $0xb8;
	[tilespmem:$0x10C00] =	vst v63  }
0x89: {  	_ =	swait.ge [sflag:s18], $0x2000  }
0x8a: {  	[sflag:s18] =	ssyncset.done $0x0  }
0x8b: {  	s30 =	sadd.s32 $0x1400, s24;
	[sflag:s18] =	ssyncadd.s32 $0xFFFFE000  }
0x8c: {  	[spmem:s2] =	stream.indirect.scatter.add.f32 [tilespmem:s16], [sflag:$0x3], $0x40, s30, s15, $0xb8;
	[tilespmem:$0x10C00] =	vst v63  }
0x8d: {  	_ =	swait.ge [sflag:s13], $0x2000  }
0x8e: {  	[sflag:s13] =	ssyncset.done $0x0  }
0x8f: {  	s31 =	sadd.s32 $0x100, s24;
	[sflag:s13] =	ssyncadd.s32 $0xFFFFE000  }
0x90: {  	[tilespmem:s16], [sflag:$0x1] =	stream.indirect.gather [hbm4b:s1+s15], $0x40, s31, s15, $0xb8;
	[tilespmem:$0x10C00] =	vst v63  }
0x91: {  	_ =	swait.ge [sflag:s19], $0x2000  }
0x92: {  	[sflag:s19] =	ssyncset.done $0x0  }
0x93: {  	s25 =	sadd.s32 $0x1480, s24;
	[sflag:s19] =	ssyncadd.s32 $0xFFFFE000  }
0x94: {  	[spmem:s2] =	stream.indirect.scatter.add.f32 [tilespmem:s17], [sflag:$0x3], $0x40, s25, s15, $0xb8;
	[tilespmem:$0x10C00] =	vst v63  }
0x95: {  	_ =	swait.ge [sflag:s13], $0x2000  }
0x96: {  	[sflag:s13] =	ssyncset.done $0x0  }
0x97: {  	[sflag:s13] =	ssyncadd.s32 $0xFFFFE000  }
0x98: {  	[tilespmem:s17], [sflag:$0x2] =	stream.indirect.gather [hbm4b:s1+s15], $0x40, s20, s15, $0xb8;
	[tilespmem:$0x10C00] =	vst v63  }
0x99: {  	_ =	swait.ge [sflag:s18], $0x2000  }
0x9a: {  	[sflag:s18] =	ssyncset.done $0x0  }
0x9b: {  	[sflag:s18] =	ssyncadd.s32 $0xFFFFE000  }
0x9c: {  	[spmem:s2] =	stream.indirect.scatter.add.f32 [tilespmem:s16], [sflag:$0x3], $0x40, s21, s15, $0xb8;
	[tilespmem:$0x10C00] =	vst v63  }
0x9d: {  	_ =	swait.ge [sflag:s13], $0x2000  }
0x9e: {  	[sflag:s13] =	ssyncset.done $0x0  }
0x9f: {  	[sflag:s13] =	ssyncadd.s32 $0xFFFFE000  }
0xa0: {  	_ =	swait.ge [sflag:s19], $0x2000  }
0xa1: {  	[sflag:s19] =	ssyncset.done $0x0  }
0xa2: {  	[sflag:s19] =	ssyncadd.s32 $0xFFFFE000  }
0xa3: {  	[spmem:s2] =	stream.indirect.scatter.add.f32 [tilespmem:s17], [sflag:$0x3], $0x40, s22, s15, $0xb8;
	[tilespmem:$0x10C00] =	vst v63  }
0xa4: {  	_ =	swait.ge [sflag:s13], $0x2000  }
0xa5: {  	[sflag:s13] =	ssyncset.done $0x0  }
0xa6: {  	s26 =	simm.s32 $0x0;
	[sflag:s13] =	ssyncadd.s32 $0xFFFFE000  }
0xa7: {  	[tilespmem:s26], [sflag:$0x3] =	stream.linear.gather [hbm4b:s8+s26], $0x1400, $0x38;
	[tilespmem:$0x10C00] =	vst v63  }
0xa8: {  	_ =	swait.ge [sflag:s13], $0x1400  }
0xa9: {  	[sflag:s13] =	ssyncset.done $0x0  }
0xaa: {  	[sflag:s13] =	ssyncadd.s32 $0xFFFFEC00  }
0xab: {  	[tilespmem:s14], [sflag:$0x3] =	stream.linear.gather [hbm4b:s9+s26], $0x1400, $0x38;
	[tilespmem:$0x10C00] =	vst v63  }
0xac: {  	_ =	swait.ge [sflag:s13], $0x1400  }
0xad: {  	[sflag:s13] =	ssyncset.done $0x0  }
0xae: {  	[sflag:s13] =	ssyncadd.s32 $0xFFFFEC00  }
0xaf: {  	[tilespmem:s16], [sflag:$0x1] =	stream.indirect.gather [hbm4b:s1+s15], $0x40, s26, s15, $0xb8;
	[tilespmem:$0x10C00] =	vst v63  }
0xb0: {  	s28 =	simm.s32 $0x80  }
0xb1: {  	[tilespmem:s17], [sflag:$0x2] =	stream.indirect.gather [hbm4b:s1+s15], $0x40, s28, s15, $0xb8;
	[tilespmem:$0x10C00] =	vst v63  }
0xb2: {  	_ =	swait.ge [sflag:s18], $0x2000  }
0xb3: {  	[sflag:s18] =	ssyncset.done $0x0  }
0xb4: {  	s29 =	simm.s32 $0x1400;
	[sflag:s18] =	ssyncadd.s32 $0xFFFFE000  }
0xb5: {  	[spmem:s2] =	stream.indirect.scatter.add.f32 [tilespmem:s16], [sflag:$0x3], $0x40, s29, s15, $0xb8;
	[tilespmem:$0x10C00] =	vst v63  }
0xb6: {  	_ =	swait.ge [sflag:s13], $0x2000  }
0xb7: {  	[sflag:s13] =	ssyncset.done $0x0  }
0xb8: {  	s30 =	simm.s32 $0x100;
	[sflag:s13] =	ssyncadd.s32 $0xFFFFE000  }
0xb9: {  	[tilespmem:s16], [sflag:$0x1] =	stream.indirect.gather [hbm4b:s1+s15], $0x40, s30, s15, $0xb8;
	[tilespmem:$0x10C00] =	vst v63  }
0xba: {  	_ =	swait.ge [sflag:s19], $0x2000  }
0xbb: {  	[sflag:s19] =	ssyncset.done $0x0  }
0xbc: {  	s31 =	simm.s32 $0x1480;
	[sflag:s19] =	ssyncadd.s32 $0xFFFFE000  }
0xbd: {  	[spmem:s2] =	stream.indirect.scatter.add.f32 [tilespmem:s17], [sflag:$0x3], $0x40, s31, s15, $0xb8;
	[tilespmem:$0x10C00] =	vst v63  }
0xbe: {  	_ =	swait.ge [sflag:s13], $0x2000  }
0xbf: {  	s24 =	simm.s32 $0x100;
	s25 =	simm.s32 $0x800;
	[sflag:s13] =	ssyncset.done $0x0  }
.LBB2_6:
0xc0: {  	s26 =	sadd.s32 $0x80, s24  }
0xc1: {  	[sflag:s13] =	ssyncadd.s32 $0xFFFFE000;
	s28 =	smov.u32 s25;
	s29 =	sadd.s32 $0x400, s25  }
0xc2: {  	[tilespmem:s17], [sflag:$0x2] =	stream.indirect.gather [hbm4b:s1+s15], $0x40, s26, s15, $0xb8;
	[tilespmem:$0x10C00] =	vst v63  }
0xc3: {  	p0 =	sne.s32 s25, $0x4800;
	_ =	swait.ge [sflag:s18], $0x2000  }
0xc4: {  	[sflag:s18] =	ssyncset.done $0x0  }
0xc5: {  	s25 =	sadd.s32 $0x1400, s24;
	[sflag:s18] =	ssyncadd.s32 $0xFFFFE000  }
0xc6: {  	[spmem:s2] =	stream.indirect.scatter.add.f32 [tilespmem:s16], [sflag:$0x3], $0x40, s25, s15, $0xb8;
	[tilespmem:$0x10C00] =	vst v63  }
0xc7: {  	_ =	swait.ge [sflag:s13], $0x2000  }
0xc8: {  	[sflag:s13] =	ssyncset.done $0x0  }
0xc9: {  	s25 =	sadd.s32 $0x100, s24;
	[sflag:s13] =	ssyncadd.s32 $0xFFFFE000  }
0xca: {  	[tilespmem:s16], [sflag:$0x1] =	stream.indirect.gather [hbm4b:s1+s15], $0x40, s25, s15, $0xb8;
	[tilespmem:$0x10C00] =	vst v63  }
0xcb: {  	_ =	swait.ge [sflag:s19], $0x2000  }
.Ltmp2:
0xcc: {  	[sflag:s19] =	ssyncset.done $0x0;
	(pc) =	sbr.rel @p0 .LBB2_6-.Ltmp2, $4  }
0xcd: {  	s24 =	sadd.s32 $0x1480, s24;
	[sflag:s19] =	ssyncadd.s32 $0xFFFFE000  }
0xce: {  	[spmem:s2] =	stream.indirect.scatter.add.f32 [tilespmem:s17], [sflag:$0x3], $0x40, s24, s15, $0xb8;
	[tilespmem:$0x10C00] =	vst v63  }
0xcf: {  	_ =	swait.ge [sflag:s13], $0x2000  }
0xd0: {  	s25 =	smov.u32 s29;
	s24 =	sshra.s32 s28, $0x2;
	[sflag:s13] =	ssyncset.done $0x0  }
0xd1: {  	s25 =	sadd.s32 $0x80, s24;
	[sflag:s13] =	ssyncadd.s32 $0xFFFFE000  }
0xd2: {  	[tilespmem:s17], [sflag:$0x2] =	stream.indirect.gather [hbm4b:s1+s15], $0x40, s25, s15, $0xb8;
	[tilespmem:$0x10C00] =	vst v63  }
0xd3: {  	_ =	swait.ge [sflag:s18], $0x2000  }
0xd4: {  	[sflag:s18] =	ssyncset.done $0x0  }
0xd5: {  	s28 =	sadd.s32 $0x1400, s24;
	[sflag:s18] =	ssyncadd.s32 $0xFFFFE000  }
0xd6: {  	[spmem:s2] =	stream.indirect.scatter.add.f32 [tilespmem:s16], [sflag:$0x3], $0x40, s28, s15, $0xb8;
	[tilespmem:$0x10C00] =	vst v63  }
0xd7: {  	_ =	swait.ge [sflag:s13], $0x2000  }
0xd8: {  	[sflag:s13] =	ssyncset.done $0x0  }
0xd9: {  	s29 =	sadd.s32 $0x100, s24;
	[sflag:s13] =	ssyncadd.s32 $0xFFFFE000  }
0xda: {  	[tilespmem:s16], [sflag:$0x1] =	stream.indirect.gather [hbm4b:s1+s15], $0x40, s29, s15, $0xb8;
	[tilespmem:$0x10C00] =	vst v63  }
0xdb: {  	_ =	swait.ge [sflag:s19], $0x2000  }
0xdc: {  	[sflag:s19] =	ssyncset.done $0x0  }
0xdd: {  	s30 =	sadd.s32 $0x1480, s24;
	[sflag:s19] =	ssyncadd.s32 $0xFFFFE000  }
0xde: {  	[spmem:s2] =	stream.indirect.scatter.add.f32 [tilespmem:s17], [sflag:$0x3], $0x40, s30, s15, $0xb8;
	[tilespmem:$0x10C00] =	vst v63  }
0xdf: {  	_ =	swait.ge [sflag:s13], $0x2000  }
0xe0: {  	[sflag:s13] =	ssyncset.done $0x0  }
0xe1: {  	[sflag:s13] =	ssyncadd.s32 $0xFFFFE000  }
0xe2: {  	[tilespmem:s17], [sflag:$0x2] =	stream.indirect.gather [hbm4b:s1+s15], $0x40, s20, s15, $0xb8;
	[tilespmem:$0x10C00] =	vst v63  }
0xe3: {  	_ =	swait.ge [sflag:s18], $0x2000  }
0xe4: {  	[sflag:s18] =	ssyncset.done $0x0  }
0xe5: {  	[sflag:s18] =	ssyncadd.s32 $0xFFFFE000  }
0xe6: {  	[spmem:s2] =	stream.indirect.scatter.add.f32 [tilespmem:s16], [sflag:$0x3], $0x40, s21, s15, $0xb8;
	[tilespmem:$0x10C00] =	vst v63  }
0xe7: {  	_ =	swait.ge [sflag:s13], $0x2000  }
0xe8: {  	[sflag:s13] =	ssyncset.done $0x0  }
0xe9: {  	[sflag:s13] =	ssyncadd.s32 $0xFFFFE000  }
0xea: {  	_ =	swait.ge [sflag:s19], $0x2000  }
0xeb: {  	[sflag:s19] =	ssyncset.done $0x0  }
0xec: {  	[sflag:s19] =	ssyncadd.s32 $0xFFFFE000  }
0xed: {  	[spmem:s2] =	stream.indirect.scatter.add.f32 [tilespmem:s17], [sflag:$0x3], $0x40, s22, s15, $0xb8;
	[tilespmem:$0x10C00] =	vst v63  }
0xee: {  	_ =	swait.ge [sflag:s13], $0x2000  }
0xef: {  	s4 =	sadd.s32 $0x1, s4;
	[sflag:s13] =	ssyncset.done $0x0  }
0xf0: {  	s31 =	sshll.u32 s3, $0x6;
	p0 =	sne.s32 s4, s11;
	[sflag:s13] =	ssyncadd.s32 $0xFFFFE000  }
.Ltmp3:
0xf1: {  	s24 =	sor.u32 $0x1C03, s31;
	[bflag:$0x0] =	sbarrier.arrive $0xFFFF;
	(pc) =	sbr.rel @p0 .LBB2_1-.Ltmp3, $4  }
0xf2: {  	[hbm:s10], [sflag:s24] =	dma.local [spmem:s23], $0x1400  }
0xf3: {  	_ =	swait.ge [sflag:s13], $0x1400  }
0xf4: {  	[sflag:s13] =	ssyncset.done $0x0  }
0xf5: {  	[sflag:s13] =	ssyncadd.s32 $0xFFFFEC00  }
0xf6: {  	_ =	sfence.sel $0x180000  }
0xf7: {  	[bflag:$0x0] =	sbarrier.arrive $0xFFFF  }
0xf8: {  	p0 =	sne.s32 s3, $0x0;
	_ =	strace $0x9000004A  }
0xf9: {  	s0 =	sadd.s32 @!p0 $0x100000, s0;
	[bflag:$0x2] =	sbarrier.arrive $0xFFFF  }
0xfa: {  	[sflag:s0] =	ssyncadd.tile.s32 @!p0 $0x1;
	_ =	shalt  }
.Lfunc_end2:
_tile_overlayer_lowered:
.L_overlay_start_2:
0xfb: {  	(tag) =	ssettag $0x2  }
0xfc: {  	s0 =	rddreg [dreg:$0x0];
	s2 =	stileid.u32  }
0xfd: {  	s1 =	rddreg [dreg:$0x1];
	p0 =	sne.s32 s2, $0x0  }
0xfe: {  	s3 =	rddreg [dreg:$0x2];
	[bflag:$0x3] =	sbarrier.arrive $0xFFFF;
	s2 =	simm.s32 @!p0 $0x1C03  }
0xff: {  	[timem:s3], [sflag:s2] =	dma.local @!p0 [hbm:s0], s1  }
0x100: {  	s0 =	simm.s32 @!p0 $0x3  }
0x101: {  	_ =	swait.ge @!p0 [sflag:s0], s1  }
0x102: {  	s1 =	ssub.s32 @!p0 $0x0, s1;
	[sflag:s0] =	ssyncset.done @!p0 $0x0  }
0x103: {  	[sflag:s0] =	ssyncadd.s32 @!p0 s1  }
0x104: {  	[bflag:$0x3] =	sbarrier.arrive $0xFFFF  }
0x105: {  	_ =	shalt  }

// kernel: kernel.8.cloned.1.call-start
scs
__scs_entry_jumppad:
0x0: {  	(pc) =	sbr.rel $0x88, $3  }
0x1: {  	(tag) =	ssettag $0x0;
	lr =	simm.s32 $0x1  }
0x2: {  	[smem:$0x3F99] =	sst lr;
	_ =	strace $0xD0000000  }
0x3: {  	_ = 	snop  }
0x4: {  	_ = 	snop  }
0x5: {  	_ = 	snop  }
0x6: {  	_ = 	snop  }
0x7: {  	_ = 	snop  }
__scs_overlays_trampoline_lowered:
0x8: {  	[smem:$0x3FA8] =	sst s0  }
0x9: {  	[smem:$0x3FA9] =	sst s1  }
0xa: {  	[smem:$0x3FAA] =	sst s2  }
0xb: {  	[smem:$0x3FAB] =	sst s3  }
0xc: {  	[smem:$0x3FAC] =	sst s4  }
0xd: {  	[smem:$0x3FAD] =	sst s5  }
0xe: {  	[smem:$0x3FAE] =	sst s6  }
0xf: {  	[smem:$0x3FAF] =	sst s7  }
0x10: {  	[smem:$0x3FB0] =	sst s8  }
0x11: {  	[smem:$0x3FB1] =	sst s9;
	s0 =	simm.s32 @!p0 $0x0  }
0x12: {  	s1 =	sld [smem:$0x3F97];
	s0 =	simm.s32 @p0 $0x1  }
0x13: {  	[smem:$0x3FB2] =	sst s0;
	s0 =	simm.s32 @!p1 $0x0  }
0x14: {  	s2 =	sld [smem:$0x3F96];
	s0 =	simm.s32 @p1 $0x1  }
0x15: {  	[smem:$0x3FB3] =	sst s0;
	s0 =	simm.s32 @!p2 $0x0  }
0x16: {  	s3 =	sld [smem:$0x3FDB];
	s0 =	simm.s32 @p2 $0x1  }
0x17: {  	s4 =	simm.s32 $0x1BF5;
	[smem:$0x3FB5] =	sst s0  }
0x18: {  	s0 =	sld [smem:$0x3F98];
	_ =	swait.ge [sflag:s4], $0x0  }
0x19: {  	s7 =	sld [smem:$0x3F99]  }
0x1a: {  	s8 =	sadd.s32 $0xFFFFE003, lr  }
0x1b: {  	s9 =	sadd.s32 $0xFFFFFEF7, lr;
	s5 =	simm.s32 $0xFFFFFFFF;
	p2 =	slt.u32 s8, $0xFFFFF086  }
0x1c: {  	p1 =	slt.u32 s9, $0xF7A;
	s5 =	simm.s32 @!p2 $0x0  }
0x1d: {  	s5 =	simm.s32 @p1 $0x1;
	p0 =	seq.s32 s7, s2  }
0x1e: {  	s7 =	smul.u32 @!p0 $0xF7A, s2;
	p2 =	seq.s32 @!p0 s5, $0x0  }
0x1f: {  	s9 =	smul.u32 $0xF7A, s1;
	s8 =	simm.s32 @!p0 $0x1BF5;
	p2 =	por !p2, p0  }
0x20: {  	[sflag:s8] =	ssyncset.s32 @!p0 $0xFFFFF086;
	s6 =	sadd.s32 @!p0 s3, s7;
	s7 =	simm.s32 @!p0 $0x108  }
0x21: {  	s3 =	sadd.s32 s3, s9;
	s6 =	sadd.s32 @!p0 $0x88, s6;
	s7 =	simm.s32 @p2 $0x1082  }
0x22: {  	[simem:s7], [sflag:s8] =	dma.local @!p0 [hbm:s6], $0xF7A  }
0x23: {  	s9 =	sor.u32 $0xD0000000, s2;
	s6 =	simm.s32 $0x108;
	_ =	swait.ge @!p0 [sflag:s8], $0x0  }
0x24: {  	s3 =	sadd.s32 $0x88, s3;
	s6 =	simm.s32 @!p1 $0x1082;
	[sflag:s4] =	ssyncset.s32 $0xFFFFF086  }
0x25: {  	[simem:s6], [sflag:s4] =	dma.local [hbm:s3], $0xF7A  }
0x26: {  	[smem:$0x3F99] =	sst s1;
	(tag) =	ssettag s2;
	_ =	strace s9  }
0x27: {  	s1 =	sld [smem:$0x3FA9]  }
0x28: {  	s2 =	sld [smem:$0x3FAA]  }
0x29: {  	s4 =	sld [smem:$0x3FAC]  }
0x2a: {  	p0 =	seq.s32 s5, $0x0;
	s5 =	sld [smem:$0x3FAD]  }
0x2b: {  	s6 =	sld [smem:$0x3FAE]  }
0x2c: {  	s7 =	sld [smem:$0x3FAF]  }
0x2d: {  	s3 =	simm.s32 $0x108;
	s8 =	sld [smem:$0x3FB0]  }
0x2e: {  	s3 =	simm.s32 @!p0 $0x1082;
	s9 =	sld [smem:$0x3FB1]  }
0x2f: {  	lr =	sadd.s32 s0, s3;
	s0 =	sld [smem:$0x3FA8]  }
0x30: {  	s3 =	sld [smem:$0x3FAB]  }
0x31: {  	[smem:$0x3FB4] =	sst s10  }
0x32: {  	s10 =	sld [smem:$0x3FB2];
	_ =	sdelay $0x3  }
0x33: {  	p0 =	seq.s32 s10, $0x1;
	s10 =	sld [smem:$0x3FB4];
	_ =	sdelay $0x3  }
0x34: {  	[smem:$0x3FB4] =	sst s10  }
0x35: {  	s10 =	sld [smem:$0x3FB3];
	_ =	sdelay $0x3  }
0x36: {  	p1 =	seq.s32 s10, $0x1;
	s10 =	sld [smem:$0x3FB4];
	_ =	sdelay $0x3  }
0x37: {  	[smem:$0x3FB4] =	sst s10  }
0x38: {  	s10 =	sld [smem:$0x3FB5]  }
0x39: {  	_ = 	snop;
	(pc) =	sbr.ind lr, $3  }
0x3a: {  	_ = 	snop  }
0x3b: {  	_ = 	snop  }
0x3c: {  	p2 =	seq.s32 s10, $0x1;
	s10 =	sld [smem:$0x3FB4]  }
0x3d: {  	_ =	shalt  }
0x3e: {  	_ =	shalt  }
0x3f: {  	_ =	shalt  }
0x40: {  	_ =	shalt  }
0x41: {  	_ =	shalt  }
0x42: {  	_ =	shalt  }
0x43: {  	_ =	shalt  }
0x44: {  	_ =	shalt  }
0x45: {  	_ =	shalt  }
0x46: {  	_ =	shalt  }
0x47: {  	_ =	shalt  }
0x48: {  	_ =	shalt  }
0x49: {  	_ =	shalt  }
0x4a: {  	_ =	shalt  }
0x4b: {  	_ =	shalt  }
0x4c: {  	_ =	shalt  }
0x4d: {  	_ =	shalt  }
0x4e: {  	_ =	shalt  }
0x4f: {  	_ =	shalt  }
0x50: {  	_ =	shalt  }
0x51: {  	_ =	shalt  }
0x52: {  	_ =	shalt  }
0x53: {  	_ =	shalt  }
0x54: {  	_ =	shalt  }
0x55: {  	_ =	shalt  }
0x56: {  	_ =	shalt  }
0x57: {  	_ =	shalt  }
0x58: {  	_ =	shalt  }
0x59: {  	_ =	shalt  }
0x5a: {  	_ =	shalt  }
0x5b: {  	_ =	shalt  }
0x5c: {  	_ =	shalt  }
0x5d: {  	_ =	shalt  }
0x5e: {  	_ =	shalt  }
0x5f: {  	_ =	shalt  }
0x60: {  	_ =	shalt  }
0x61: {  	_ =	shalt  }
0x62: {  	_ =	shalt  }
0x63: {  	_ =	shalt  }
0x64: {  	_ =	shalt  }
0x65: {  	_ =	shalt  }
0x66: {  	_ =	shalt  }
0x67: {  	_ =	shalt  }
0x68: {  	_ =	shalt  }
0x69: {  	_ =	shalt  }
0x6a: {  	_ =	shalt  }
0x6b: {  	_ =	shalt  }
0x6c: {  	_ =	shalt  }
0x6d: {  	_ =	shalt  }
0x6e: {  	_ =	shalt  }
0x6f: {  	_ =	shalt  }
0x70: {  	_ =	shalt  }
0x71: {  	_ =	shalt  }
0x72: {  	_ =	shalt  }
0x73: {  	_ =	shalt  }
0x74: {  	_ =	shalt  }
0x75: {  	_ =	shalt  }
0x76: {  	_ =	shalt  }
0x77: {  	_ =	shalt  }
0x78: {  	_ =	shalt  }
0x79: {  	_ =	shalt  }
0x7a: {  	_ =	shalt  }
0x7b: {  	_ =	shalt  }
0x7c: {  	_ =	shalt  }
0x7d: {  	_ =	shalt  }
0x7e: {  	_ =	shalt  }
0x7f: {  	_ =	shalt  }
0x80: {  	_ =	shalt  }
0x81: {  	_ =	shalt  }
0x82: {  	_ =	shalt  }
0x83: {  	_ =	shalt  }
0x84: {  	_ =	shalt  }
0x85: {  	_ =	shalt  }
0x86: {  	_ =	shalt  }
0x87: {  	_ =	shalt  }
.Lfunc_end0:
.L_simem_size_0:
called_computation_lowered:
.L_overlay_start_0:
0x88: {  	s2 =	sld [smem:$0x3FD9]  }
0x89: {  	s3 =	sld [smem:$0x3FFE];
	_ =	sdelay $0x1  }
0x8a: {  	s1 =	srdreg.scid  }
0x8b: {  	s0 =	sand.u32 $0x1, s1  }
0x8c: {  	s17 =	sshll.u32 s0, $0xA;
	s2 =	sadd.s32 s3, s2  }
0x8d: {  	s2 =	sadd.s32 s2, s17  }
0x8e: {  	[smem:$0x3FC0] =	sst s2  }
0x8f: {  	_ = 	snop  }
0x90: {  	s2 =	sld [smem:$0x3FC9]  }
0x91: {  	s18 =	sld [smem:$0x3FD0];
	(tm) =	ssettm $0x1  }
0x92: {  	s4 =	sld [smem:$0x3FFB];
	_ =	sdelay $0x3  }
0x93: {  	_ =	strace s4  }
0x94: {  	s4 =	sld [smem:$0x3FFC];
	_ =	sdelay $0x3  }
0x95: {  	_ =	strace s4  }
0x96: {  	s4 =	sld [smem:$0x3FFD];
	_ =	sdelay $0x3  }
0x97: {  	_ =	strace s4  }
0x98: {  	_ =	strace $0x8FFFFFFF  }
0x99: {  	s19 =	sld [smem:$0x3FDB];
	_ =	sdelay $0x1  }
0x9a: {  	s5 =	simm.s32 $_scs_section_size  }
0x9b: {  	s6 =	simm.s32 $_size__tile_overlayer_lowered;
	s7 =	simm.s32 $_tile_overlayer_lowered  }
0x9c: {  	s22 =	simm.s32 $0x1BFF;
	s21 =	sshll.u32 s7, $0x1;
	s4 =	sadd.s32 s5, s19  }
0x9d: {  	s8 =	simm.s32 $0x0;
	s20 =	sshll.u32 s6, $0x1;
	s6 =	sadd.s32 s21, s4  }
0x9e: {  	[timem:s8], [sflag:s22] =	dma.local [hbm:s6], s20  }
0x9f: {  	_ =	swait.ge [sflag:s22], s20  }
0xa0: {  	s5 =	ssub.s32 $0x0, s20;
	[sflag:s22] =	ssyncset.done $0x0  }
0xa1: {  	[sflag:s22] =	ssyncadd.s32 s5;
	_ =	sdelay $0x1  }
0xa2: {  	s23 =	simm.s32 $0x1B8B  }
0xa3: {  	_ =	swait.ge [sflag:s23], $0x1  }
0xa4: {  	[sflag:s23] =	ssyncset.done $0x0  }
0xa5: {  	s25 =	simm.s32 $0x1B8E;
	s24 =	sld [smem:$0x3FFE];
	[sflag:s23] =	ssyncadd.s32 $0xFFFFFFFF  }
0xa6: {  	s26 =	simm.s32 $execute0_lowered;
	[smem:$0x3FD2] =	sst s25  }
0xa7: {  	s6 =	sshll.u32 s26, $0x1;
	_ =	strace $0x80000046;
	[dreg:$0x1] =	wrdreg $0xFFFFFFFF  }
0xa8: {  	s28 =	simm.s32 $_size_execute0_lowered;
	s4 =	sadd.s32 s4, s6;
	[dreg:$0x0] =	wrdreg $0x0  }
0xa9: {  	s6 =	sshll.u32 s28, $0x1;
	[dreg:$0x2] =	wrdreg s4  }
0xaa: {  	[dreg:$0x3] =	wrdreg s6  }
0xab: {  	[dreg:$0x4] =	wrdreg $0xC0  }
0xac: {  	_ =	task [dreg:s8], $0x5FFFF  }
0xad: {  	[dreg:$0x1] =	wrdreg $0xFFFFFFFF  }
0xae: {  	[dreg:$0x0] =	wrdreg $0x60  }
0xaf: {  	[dreg:$0x2] =	wrdreg s2  }
0xb0: {  	[dreg:$0x3] =	wrdreg s24  }
0xb1: {  	[dreg:$0x4] =	wrdreg s18  }
0xb2: {  	[dreg:$0x5] =	wrdreg $0xB0000  }
0xb3: {  	[dreg:$0x6] =	wrdreg $0x1F8800  }
0xb4: {  	[dreg:$0x7] =	wrdreg $0x9  }
0xb5: {  	_ =	task.clear_ibuf [dreg:s8], $0x8FFFF;
	_ =	strace $0x90000046  }
0xb6: {  	s29 =	simm.s32 $0x9;
	_ =	strace $0x80000048  }
0xb7: {  	_ =	swait.ge [sflag:s29], $0x1  }
0xb8: {  	[sflag:s29] =	ssyncadd.s32 $0xFFFFFFFF  }
0xb9: {  	_ =	strace $0x90000048  }
0xba: {  	_ =	sfence  }
0xbb: {  	s30 =	sld [smem:$0x0];
	_ =	sdelay $0x2  }
0xbc: {  	s31 =	sshll.u32 s1, $0xD;
	s1 =	sshrl.u32 s1, $0x2  }
0xbd: {  	s3 =	sand.u32 $0x4000, s31;
	s1 =	sadd.s32 s1, s30  }
0xbe: {  	s0 =	sor.u32 s3, s0;
	s1 =	sshll.u32 s1, $0x11  }
0xbf: {  	s0 =	sor.u32 s1, s0  }
0xc0: {  	s0 =	sadd.s32 $0x8F2B, s0  }
0xc1: {  	[sflag:s0] =	ssyncadd.remote.s32 $0x1  }
0xc2: {  	_ =	sfence.sel $0xFFFF  }
0xc3: {  	[dreg:$0x0] =	wrdreg $0xFFFFFFFF;
	(pc) =	sbr.abs _section_cstart, $3  }
0xc4: {  	[dreg:$0x1] =	wrdreg $0xFFFFFFFF  }
0xc5: {  	_ =	task.clear_ibuf [dreg:s8], $0x2FFFF;
	_ =	strace $0x9FFFFFFF  }
0xc6: {  	(tm) =	ssettm $0x7FFFFFFF  }
0xc7: {  	_ =	shalt  }
tec
execute0_lowered:
.L_overlay_start_1:
0x0: {  	(tag) =	ssettag $0x1  }
0x1: {  	s0 =	rddreg [dreg:$0x0]  }
0x2: {  	s2 =	rddreg [dreg:$0x1]  }
0x3: {  	s4 =	rddreg [dreg:$0x2]  }
0x4: {  	s1 =	rddreg [dreg:$0x3];
	s5 =	srdreg.scid  }
0x5: {  	s3 =	rddreg [dreg:$0x4];
	s20 =	stileid.u32  }
0x6: {  	s28 =	simm.s32 $0x100;
	s29 =	simm.s32 $0x2;
	s30 =	simm.s32 $0x1480  }
0x7: {  	s31 =	simm.s32 $0x3;
	s7 =	sand.u32 $0x1, s5;
	s5 =	simm.s32 $0x0  }
0x8: {  	s8 =	smul.u32 $0x14000, s20;
	s9 =	sadd.s32 $0x1C00, s2;
	s10 =	sadd.s32 $0xBC00, s2  }
0x9: {  	s13 =	smul.u32 $0x50000, s20;
	s14 =	sadd.s32 $0x800, s3;
	s19 =	sadd.s32 $0x1000, s3  }
0xa: {  	s21 =	sadd.s32 $0x1800, s3;
	s22 =	sadd.s32 $0x2000, s3;
	p0 =	sne.s32 s20, $0x0  }
0xb: {  	s6 =	smul.u32 $0x140000, s7;
	[smem:$0x7FF] =	sst s5;
	s11 =	ssub.s32 $0x2, s7  }
0xc: {  	s12 =	sshll.u32 s7, $0x4;
	_ =	strace $0x80000047;
	[dreg:$0x6] =	wrdreg s14  }
0xd: {  	s7 =	smul.u32 $0x500, s7;
	s16 =	sshrl.u32 s11, $0x1;
	[dreg:$0x7] =	wrdreg s19  }
0xe: {  	s12 =	sor.u32 s20, s12;
	s17 =	sshrl.u32 s13, $0x2;
	[dreg:$0x8] =	wrdreg s21  }
0xf: {  	[dreg:$0x9] =	wrdreg s22;
	s26 =	sadd.s32 s8, s1;
	s19 =	simm.s32 $0x5  }
0x10: {  	s20 =	simm.s32 $0x1400;
	s21 =	simm.s32 $0x80;
	s22 =	simm.s32 $0x2800  }
0x11: {  	s6 =	sadd.s32 s8, s6;
	s11 =	ssub.s32 s11, s16;
	s18 =	smul.u32 $0x2800, s12  }
0x12: {  	s12 =	smul.u32 $0x500, s12;
	s16 =	sadd.s32 s4, s7;
	s4 =	simm.s32 $0x1380  }
0x13: {  	s7 =	simm.s32 $0x2700;
	s8 =	simm.s32 $0x2780;
	s6 =	sshrl.u32 s6, $0x3  }
0x14: {  	s2 =	sadd.s32 s6, s2;
	s6 =	sadd.s32 s17, s1;
	s13 =	sshrl.u32 s18, $0x3  }
0x15: {  	s23 =	sadd.s32 s9, s12;
	s12 =	sadd.s32 s10, s12;
	s17 =	smax.u32 s11, $0x1  }
0x16: {  	s18 =	simm.s32 $0xA800;
	[dreg:$0xa] =	wrdreg s23;
	s24 =	sadd.s32 $0x280, s13  }
0x17: {  	[dreg:$0xb] =	wrdreg s12;
	s15 =	sadd.s32 $0x15C00, s2;
	s9 =	sadd.s32 s9, s24  }
0x18: {  	s23 =	simm.s32 $0x6800;
	s25 =	sadd.s32 s10, s24;
	[dreg:$0xc] =	wrdreg s9  }
0x19: {  	s2 =	simm.s32 $0x4;
	s24 =	simm.s32 $0x1;
	[dreg:$0xd] =	wrdreg s25  }
0x1a: {  	v0 =	vimm.f32 $0.0e+00;
	v1 =	vimm.f32 $1.000000000e+00;
	s25 =	sshrl.u32 s26, $0x3;
	s26 =	simm.s32 $0x1F000;
	s9 =	simm.s32 $0x0  }
.LBB2_1:
0x1b: {  	s10 =	simm.s32 $0x0;
	s11 =	simm.s32 $0x200  }
.LBB2_2:
0x1c: {  	p1 =	sne.s32 s11, $0x1E00;
	[tilespmem:s10+$0xA870] =	vst v0  }
0x1d: {  	[tilespmem:s10+$0xA800] =	vst v0  }
0x1e: {  	[tilespmem:s10+$0xA810] =	vst v0  }
.Ltmp0:
0x1f: {  	[tilespmem:s10+$0xA820] =	vst v0;
	(pc) =	sbr.rel @p1 .LBB2_2-.Ltmp0, $4  }
0x20: {  	[tilespmem:s10+$0xA830] =	vst v0  }
0x21: {  	[tilespmem:s10+$0xA840] =	vst v0  }
0x22: {  	[tilespmem:s10+$0xA850] =	vst v0  }
0x23: {  	[tilespmem:s10+$0xA860] =	vst v0;
	s10 =	sshra.s32 s11, $0x2;
	s11 =	sadd.s32 $0x200, s11  }
0x24: {  	[tilespmem:s10+$0xA870] =	vst v0  }
0x25: {  	[tilespmem:s10+$0xA800] =	vst v0  }
0x26: {  	[tilespmem:s10+$0xA810] =	vst v0  }
0x27: {  	[tilespmem:s10+$0xA820] =	vst v0  }
0x28: {  	[tilespmem:s10+$0xA830] =	vst v0  }
0x29: {  	[tilespmem:s10+$0xA840] =	vst v0  }
0x2a: {  	[tilespmem:s10+$0xA850] =	vst v0  }
0x2b: {  	[tilespmem:s10+$0xA860] =	vst v0;
	s14 =	sadd.s32 $0x0, s6  }
0x2c: {  	[spmem:s14] =	stream.linear.scatter [tilespmem:s18], [sflag:$0x5], $0x800, $0x38;
	[tilespmem:$0x1FB00] =	vst v63  }
0x2d: {  	s10 =	simm.s32 $0x2000;
	_ =	swait.ge [sflag:s19], $0x800  }
.LBB2_4:
0x2e: {  	s11 =	sshra.s32 s10, $0x2;
	[sflag:s19] =	ssyncset.done $0x0;
	p1 =	sne.s32 s10, $0x4E000  }
.Ltmp1:
0x2f: {  	s11 =	sadd.s32 s11, s6;
	[sflag:s19] =	ssyncadd.s32 $0xFFFFF800;
	(pc) =	sbr.rel @p1 .LBB2_4-.Ltmp1, $3  }
0x30: {  	[spmem:s11] =	stream.linear.scatter [tilespmem:s18], [sflag:$0x5], $0x800, $0x38;
	[tilespmem:$0x1FB00] =	vst v63  }
0x31: {  	s10 =	sadd.s32 $0x2000, s10;
	_ =	sdelay $0x1  }
0x32: {  	_ =	swait.ge [sflag:s19], $0x800  }
0x33: {  	[sflag:s19] =	ssyncset.done $0x0  }
0x34: {  	[sflag:s19] =	ssyncadd.s32 $0xFFFFF800  }
0x35: {  	[tilespmem:$0x1F000] =	vst v1  }
0x36: {  	[tilespmem:$0x1F010] =	vst v1  }
0x37: {  	[tilespmem:$0x1F020] =	vst v1  }
0x38: {  	[tilespmem:$0x1F030] =	vst v1  }
0x39: {  	[tilespmem:$0x1F040] =	vst v1  }
0x3a: {  	[tilespmem:$0x1F050] =	vst v1  }
0x3b: {  	[tilespmem:$0x1F060] =	vst v1  }
0x3c: {  	s10 =	simm.s32 $0x40;
	s11 =	simm.s32 $0x0;
	[tilespmem:$0x1F070] =	vst v1  }
.LBB2_6:
0x3d: {  	p1 =	sne.s32 s10, $0x1FC0;
	[tilespmem:s11+$0x1F080] =	vst v0;
	s11 =	smov.u32 s10;
	s10 =	sadd.s32 $0x40, s10  }
.Ltmp2:
0x3e: {  	(pc) =	sbr.rel @p1 .LBB2_6-.Ltmp2, $2  }
0x3f: {  	_ =	sdelay $0x2  }
0x40: {  	s11 =	sshra.s32 s11, $0x2  }
0x41: {  	[tilespmem:s11+$0x1F080] =	vst v0;
	s10 =	simm.s32 @!p0 $0x1F080;
	s11 =	simm.s32 @!p0 $0x5  }
0x42: {  	[spmem:s3] =	stream.linear.scatter @!p0 [tilespmem:s10], [sflag:$0x5], $0x800, $0x38;
	[tilespmem:$0x1FB00] =	vst v63  }
0x43: {  	_ =	swait.ge @!p0 [sflag:s11], $0x800  }
0x44: {  	[sflag:s11] =	ssyncset.done @!p0 $0x0  }
0x45: {  	s12 =	rddreg [dreg:$0x6];
	[sflag:s11] =	ssyncadd.s32 @!p0 $0xFFFFF800  }
0x46: {  	[spmem:s12] =	stream.linear.scatter @!p0 [tilespmem:s10], [sflag:$0x5], $0x800, $0x38;
	[tilespmem:$0x1FB00] =	vst v63  }
0x47: {  	_ =	swait.ge @!p0 [sflag:s11], $0x800  }
0x48: {  	[sflag:s11] =	ssyncset.done @!p0 $0x0  }
0x49: {  	s12 =	rddreg [dreg:$0x7];
	[sflag:s11] =	ssyncadd.s32 @!p0 $0xFFFFF800  }
0x4a: {  	[spmem:s12] =	stream.linear.scatter @!p0 [tilespmem:s10], [sflag:$0x5], $0x800, $0x38;
	[tilespmem:$0x1FB00] =	vst v63  }
0x4b: {  	_ =	swait.ge @!p0 [sflag:s11], $0x800  }
0x4c: {  	[sflag:s11] =	ssyncset.done @!p0 $0x0  }
0x4d: {  	s12 =	rddreg [dreg:$0x8];
	[sflag:s11] =	ssyncadd.s32 @!p0 $0xFFFFF800  }
0x4e: {  	[spmem:s12] =	stream.linear.scatter @!p0 [tilespmem:s10], [sflag:$0x5], $0x800, $0x38;
	[tilespmem:$0x1FB00] =	vst v63  }
0x4f: {  	_ =	swait.ge @!p0 [sflag:s11], $0x800  }
0x50: {  	[sflag:s11] =	ssyncset.done @!p0 $0x0  }
0x51: {  	s12 =	rddreg [dreg:$0x9];
	[sflag:s11] =	ssyncadd.s32 @!p0 $0xFFFFF800  }
0x52: {  	[spmem:s12] =	stream.linear.scatter @!p0 [tilespmem:s10], [sflag:$0x5], $0x800, $0x38;
	[tilespmem:$0x1FB00] =	vst v63  }
0x53: {  	_ =	swait.ge @!p0 [sflag:s11], $0x800  }
0x54: {  	[sflag:s11] =	ssyncset.done @!p0 $0x0  }
0x55: {  	[sflag:s11] =	ssyncadd.s32 @!p0 $0xFFFFF800  }
0x56: {  	[bflag:$0x0] =	sbarrier.arrive $0xFFFF  }
0x57: {  	s14 =	rddreg [dreg:$0xa]  }
0x58: {  	[tilespmem:s5], [sflag:$0x5] =	stream.linear.gather [hbm4b:s14+s5], $0x1400, $0x38;
	[tilespmem:$0x1FB00] =	vst v63  }
0x59: {  	_ =	swait.ge [sflag:s19], $0x1400  }
0x5a: {  	[sflag:s19] =	ssyncset.done $0x0  }
0x5b: {  	s11 =	rddreg [dreg:$0xb];
	[sflag:s19] =	ssyncadd.s32 $0xFFFFEC00  }
0x5c: {  	[tilespmem:s20], [sflag:$0x5] =	stream.linear.gather [hbm4b:s11+s5], $0x1400, $0x38;
	[tilespmem:$0x1FB00] =	vst v63  }
0x5d: {  	_ =	swait.ge [sflag:s19], $0x1400  }
0x5e: {  	[sflag:s19] =	ssyncset.done $0x0  }
0x5f: {  	[sflag:s19] =	ssyncadd.s32 $0xFFFFEC00  }
0x60: {  	[tilespmem:s22], [sflag:$0x1] =	stream.indirect.gather [hbm4b:s0+s21], $0x80, s5, s21, $0xb8;
	[tilespmem:$0x1FB00] =	vst v63  }
0x61: {  	_ = 	snop  }
0x62: {  	[tilespmem:s23], [sflag:$0x2] =	stream.indirect.gather [hbm4b:s0+s21], $0x80, s21, s21, $0xb8;
	[tilespmem:$0x1FB00] =	vst v63  }
0x63: {  	_ =	swait.ge [sflag:s24], $0x4000  }
0x64: {  	[sflag:s24] =	ssyncset.done $0x0  }
0x65: {  	[sflag:s24] =	ssyncadd.s32 $0xFFFFC000  }
0x66: {  	[spmem:s1] =	stream.indirect.scatter.add.f32 [tilespmem:s22], [sflag:$0x5], $0x80, s20, s21, $0xb8;
	[tilespmem:$0x1FB00] =	vst v63  }
0x67: {  	_ =	swait.ge [sflag:s19], $0x4000  }
0x68: {  	[sflag:s19] =	ssyncset.done $0x0  }
0x69: {  	[sflag:s19] =	ssyncadd.s32 $0xFFFFC000  }
0x6a: {  	[spmem:s3] =	stream.indirect.scatter.add.f32 [tilespmem:s26], [sflag:$0x3], $0x1, s20, s21, $0xb8;
	[tilespmem:$0x1FB00] =	vst v63  }
0x6b: {  	_ = 	snop  }
0x6c: {  	[tilespmem:s22], [sflag:$0x1] =	stream.indirect.gather [hbm4b:s0+s21], $0x80, s28, s21, $0xb8;
	[tilespmem:$0x1FB00] =	vst v63  }
0x6d: {  	_ =	swait.ge [sflag:s29], $0x4000  }
0x6e: {  	[sflag:s29] =	ssyncset.done $0x0  }
0x6f: {  	[sflag:s29] =	ssyncadd.s32 $0xFFFFC000  }
0x70: {  	[spmem:s1] =	stream.indirect.scatter.add.f32 [tilespmem:s23], [sflag:$0x5], $0x80, s30, s21, $0xb8;
	[tilespmem:$0x1FB00] =	vst v63  }
0x71: {  	_ =	swait.ge [sflag:s19], $0x4000  }
0x72: {  	[sflag:s19] =	ssyncset.done $0x0  }
0x73: {  	[sflag:s19] =	ssyncadd.s32 $0xFFFFC000  }
0x74: {  	[spmem:s3] =	stream.indirect.scatter.add.f32 [tilespmem:s26], [sflag:$0x4], $0x1, s30, s21, $0xb8;
	[tilespmem:$0x1FB00] =	vst v63  }
0x75: {  	s12 =	simm.s32 $0x180  }
0x76: {  	[tilespmem:s23], [sflag:$0x2] =	stream.indirect.gather [hbm4b:s0+s21], $0x80, s12, s21, $0xb8;
	[tilespmem:$0x1FB00] =	vst v63  }
0x77: {  	_ =	swait.ge [sflag:s24], $0x4000  }
0x78: {  	[sflag:s24] =	ssyncset.done $0x0  }
0x79: {  	s13 =	simm.s32 $0x1500;
	[sflag:s24] =	ssyncadd.s32 $0xFFFFC000  }
0x7a: {  	[spmem:s1] =	stream.indirect.scatter.add.f32 [tilespmem:s22], [sflag:$0x5], $0x80, s13, s21, $0xb8;
	[tilespmem:$0x1FB00] =	vst v63  }
0x7b: {  	_ =	swait.ge [sflag:s19], $0x4000  }
0x7c: {  	[sflag:s19] =	ssyncset.done $0x0  }
0x7d: {  	[sflag:s19] =	ssyncadd.s32 $0xFFFFC000  }
0x7e: {  	_ =	swait.ge [sflag:s31], $0x80  }
0x7f: {  	[sflag:s31] =	ssyncset.done $0x0  }
0x80: {  	[sflag:s31] =	ssyncadd.s32 $0xFFFFFF80  }
0x81: {  	[spmem:s3] =	stream.indirect.scatter.add.f32 [tilespmem:s26], [sflag:$0x3], $0x1, s13, s21, $0xb8;
	[tilespmem:$0x1FB00] =	vst v63  }
0x82: {  	s14 =	simm.s32 $0x200  }
0x83: {  	[tilespmem:s22], [sflag:$0x1] =	stream.indirect.gather [hbm4b:s0+s21], $0x80, s14, s21, $0xb8;
	[tilespmem:$0x1FB00] =	vst v63  }
0x84: {  	_ =	swait.ge [sflag:s29], $0x4000  }
0x85: {  	[sflag:s29] =	ssyncset.done $0x0  }
0x86: {  	s11 =	simm.s32 $0x1580;
	[sflag:s29] =	ssyncadd.s32 $0xFFFFC000  }
0x87: {  	[spmem:s1] =	stream.indirect.scatter.add.f32 [tilespmem:s23], [sflag:$0x5], $0x80, s11, s21, $0xb8;
	[tilespmem:$0x1FB00] =	vst v63  }
0x88: {  	_ =	swait.ge [sflag:s19], $0x4000  }
0x89: {  	[sflag:s19] =	ssyncset.done $0x0  }
0x8a: {  	[sflag:s19] =	ssyncadd.s32 $0xFFFFC000  }
0x8b: {  	_ =	swait.ge [sflag:s2], $0x80  }
0x8c: {  	[sflag:s2] =	ssyncset.done $0x0  }
0x8d: {  	s10 =	simm.s32 $0xFFFFEF00;
	s12 =	simm.s32 $0xFFFFC000;
	[sflag:s2] =	ssyncadd.s32 $0xFFFFFF80  }
.LBB2_8:
0x8e: {  	[spmem:s3] =	stream.indirect.scatter.add.f32 [tilespmem:s26], [sflag:$0x4], $0x1, s11, s21, $0xb8;
	[tilespmem:$0x1FB00] =	vst v63  }
0x8f: {  	s11 =	smov.u32 s12  }
0x90: {  	s14 =	sadd.s32 $0x400, s12;
	s13 =	sshra.s32 s11, $0x2;
	s11 =	sadd.s32 $0x1380, s10  }
0x91: {  	[tilespmem:s23], [sflag:$0x2] =	stream.indirect.gather [hbm4b:s0+s21], $0x80, s11, s21, $0xb8;
	[tilespmem:$0x1FB00] =	vst v63  }
0x92: {  	p1 =	sne.s32 s12, $0xFFFFFC00;
	_ =	swait.ge [sflag:s24], $0x4000  }
0x93: {  	[sflag:s24] =	ssyncset.done $0x0  }
0x94: {  	s11 =	sadd.s32 $0x2700, s10;
	[sflag:s24] =	ssyncadd.s32 $0xFFFFC000  }
0x95: {  	[spmem:s1] =	stream.indirect.scatter.add.f32 [tilespmem:s22], [sflag:$0x5], $0x80, s11, s21, $0xb8;
	[tilespmem:$0x1FB00] =	vst v63  }
0x96: {  	_ =	swait.ge [sflag:s19], $0x4000  }
0x97: {  	[sflag:s19] =	ssyncset.done $0x0  }
0x98: {  	[sflag:s19] =	ssyncadd.s32 $0xFFFFC000  }
0x99: {  	_ =	swait.ge [sflag:s31], $0x80  }
0x9a: {  	[sflag:s31] =	ssyncset.done $0x0  }
0x9b: {  	[sflag:s31] =	ssyncadd.s32 $0xFFFFFF80  }
0x9c: {  	[spmem:s3] =	stream.indirect.scatter.add.f32 [tilespmem:s26], [sflag:$0x3], $0x1, s11, s21, $0xb8;
	[tilespmem:$0x1FB00] =	vst v63  }
0x9d: {  	s11 =	sadd.s32 $0x1400, s10  }
0x9e: {  	[tilespmem:s22], [sflag:$0x1] =	stream.indirect.gather [hbm4b:s0+s21], $0x80, s11, s21, $0xb8;
	[tilespmem:$0x1FB00] =	vst v63  }
0x9f: {  	_ =	swait.ge [sflag:s29], $0x4000  }
0xa0: {  	[sflag:s29] =	ssyncset.done $0x0  }
0xa1: {  	s11 =	sadd.s32 $0x2780, s10;
	s10 =	smov.u32 s13;
	[sflag:s29] =	ssyncadd.s32 $0xFFFFC000  }
0xa2: {  	[spmem:s1] =	stream.indirect.scatter.add.f32 [tilespmem:s23], [sflag:$0x5], $0x80, s11, s21, $0xb8;
	[tilespmem:$0x1FB00] =	vst v63  }
0xa3: {  	_ =	swait.ge [sflag:s19], $0x4000  }
.Ltmp3:
0xa4: {  	[sflag:s19] =	ssyncset.done $0x0;
	(pc) =	sbr.rel @p1 .LBB2_8-.Ltmp3, $4  }
0xa5: {  	[sflag:s19] =	ssyncadd.s32 $0xFFFFC000  }
0xa6: {  	_ =	swait.ge [sflag:s2], $0x80  }
0xa7: {  	[sflag:s2] =	ssyncset.done $0x0  }
0xa8: {  	s12 =	smov.u32 s14;
	[sflag:s2] =	ssyncadd.s32 $0xFFFFFF80  }
0xa9: {  	[spmem:s3] =	stream.indirect.scatter.add.f32 [tilespmem:s26], [sflag:$0x4], $0x1, s11, s21, $0xb8;
	[tilespmem:$0x1FB00] =	vst v63  }
0xaa: {  	s13 =	sadd.s32 $0x1380, s10  }
0xab: {  	[tilespmem:s23], [sflag:$0x2] =	stream.indirect.gather [hbm4b:s0+s21], $0x80, s13, s21, $0xb8;
	[tilespmem:$0x1FB00] =	vst v63  }
0xac: {  	_ =	swait.ge [sflag:s24], $0x4000  }
0xad: {  	[sflag:s24] =	ssyncset.done $0x0  }
0xae: {  	s14 =	sadd.s32 $0x2700, s10;
	[sflag:s24] =	ssyncadd.s32 $0xFFFFC000  }
0xaf: {  	[spmem:s1] =	stream.indirect.scatter.add.f32 [tilespmem:s22], [sflag:$0x5], $0x80, s14, s21, $0xb8;
	[tilespmem:$0x1FB00] =	vst v63  }
0xb0: {  	_ =	swait.ge [sflag:s19], $0x4000  }
0xb1: {  	[sflag:s19] =	ssyncset.done $0x0  }
0xb2: {  	[sflag:s19] =	ssyncadd.s32 $0xFFFFC000  }
0xb3: {  	_ =	swait.ge [sflag:s31], $0x80  }
0xb4: {  	[sflag:s31] =	ssyncset.done $0x0  }
0xb5: {  	[sflag:s31] =	ssyncadd.s32 $0xFFFFFF80  }
0xb6: {  	[spmem:s3] =	stream.indirect.scatter.add.f32 [tilespmem:s26], [sflag:$0x3], $0x1, s14, s21, $0xb8;
	[tilespmem:$0x1FB00] =	vst v63  }
0xb7: {  	s12 =	sadd.s32 $0x1400, s10  }
0xb8: {  	[tilespmem:s22], [sflag:$0x1] =	stream.indirect.gather [hbm4b:s0+s21], $0x80, s12, s21, $0xb8;
	[tilespmem:$0x1FB00] =	vst v63  }
0xb9: {  	_ =	swait.ge [sflag:s29], $0x4000  }
0xba: {  	[sflag:s29] =	ssyncset.done $0x0  }
0xbb: {  	s13 =	sadd.s32 $0x2780, s10;
	[sflag:s29] =	ssyncadd.s32 $0xFFFFC000  }
0xbc: {  	[spmem:s1] =	stream.indirect.scatter.add.f32 [tilespmem:s23], [sflag:$0x5], $0x80, s13, s21, $0xb8;
	[tilespmem:$0x1FB00] =	vst v63  }
0xbd: {  	_ =	swait.ge [sflag:s19], $0x4000  }
0xbe: {  	[sflag:s19] =	ssyncset.done $0x0  }
0xbf: {  	[sflag:s19] =	ssyncadd.s32 $0xFFFFC000  }
0xc0: {  	_ =	swait.ge [sflag:s2], $0x80  }
0xc1: {  	[sflag:s2] =	ssyncset.done $0x0  }
0xc2: {  	[sflag:s2] =	ssyncadd.s32 $0xFFFFFF80  }
0xc3: {  	[spmem:s3] =	stream.indirect.scatter.add.f32 [tilespmem:s26], [sflag:$0x4], $0x1, s13, s21, $0xb8;
	[tilespmem:$0x1FB00] =	vst v63  }
0xc4: {  	_ = 	snop  }
0xc5: {  	[tilespmem:s23], [sflag:$0x2] =	stream.indirect.gather [hbm4b:s0+s21], $0x80, s4, s21, $0xb8;
	[tilespmem:$0x1FB00] =	vst v63  }
0xc6: {  	_ =	swait.ge [sflag:s24], $0x4000  }
0xc7: {  	[sflag:s24] =	ssyncset.done $0x0  }
0xc8: {  	[sflag:s24] =	ssyncadd.s32 $0xFFFFC000  }
0xc9: {  	[spmem:s1] =	stream.indirect.scatter.add.f32 [tilespmem:s22], [sflag:$0x5], $0x80, s7, s21, $0xb8;
	[tilespmem:$0x1FB00] =	vst v63  }
0xca: {  	_ =	swait.ge [sflag:s19], $0x4000  }
0xcb: {  	[sflag:s19] =	ssyncset.done $0x0  }
0xcc: {  	[sflag:s19] =	ssyncadd.s32 $0xFFFFC000  }
0xcd: {  	_ =	swait.ge [sflag:s31], $0x80  }
0xce: {  	[sflag:s31] =	ssyncset.done $0x0  }
0xcf: {  	[sflag:s31] =	ssyncadd.s32 $0xFFFFFF80  }
0xd0: {  	[spmem:s3] =	stream.indirect.scatter.add.f32 [tilespmem:s26], [sflag:$0x3], $0x1, s7, s21, $0xb8;
	[tilespmem:$0x1FB00] =	vst v63  }
0xd1: {  	_ =	swait.ge [sflag:s29], $0x4000  }
0xd2: {  	[sflag:s29] =	ssyncset.done $0x0  }
0xd3: {  	[sflag:s29] =	ssyncadd.s32 $0xFFFFC000  }
0xd4: {  	[spmem:s1] =	stream.indirect.scatter.add.f32 [tilespmem:s23], [sflag:$0x5], $0x80, s8, s21, $0xb8;
	[tilespmem:$0x1FB00] =	vst v63  }
0xd5: {  	_ =	swait.ge [sflag:s19], $0x4000  }
0xd6: {  	[sflag:s19] =	ssyncset.done $0x0  }
0xd7: {  	[sflag:s19] =	ssyncadd.s32 $0xFFFFC000  }
0xd8: {  	_ =	swait.ge [sflag:s2], $0x80  }
0xd9: {  	[sflag:s2] =	ssyncset.done $0x0  }
0xda: {  	[sflag:s2] =	ssyncadd.s32 $0xFFFFFF80  }
0xdb: {  	[spmem:s3] =	stream.indirect.scatter.add.f32 [tilespmem:s26], [sflag:$0x4], $0x1, s8, s21, $0xb8;
	[tilespmem:$0x1FB00] =	vst v63  }
0xdc: {  	_ =	swait.ge [sflag:s31], $0x80  }
0xdd: {  	[sflag:s31] =	ssyncset.done $0x0  }
0xde: {  	[sflag:s31] =	ssyncadd.s32 $0xFFFFFF80  }
0xdf: {  	_ =	swait.ge [sflag:s2], $0x80  }
0xe0: {  	[sflag:s2] =	ssyncset.done $0x0  }
0xe1: {  	s14 =	rddreg [dreg:$0xc];
	[sflag:s2] =	ssyncadd.s32 $0xFFFFFF80  }
0xe2: {  	[tilespmem:s5], [sflag:$0x5] =	stream.linear.gather [hbm4b:s14+s5], $0x1400, $0x38;
	[tilespmem:$0x1FB00] =	vst v63  }
0xe3: {  	_ =	swait.ge [sflag:s19], $0x1400  }
0xe4: {  	[sflag:s19] =	ssyncset.done $0x0  }
0xe5: {  	s11 =	rddreg [dreg:$0xd];
	[sflag:s19] =	ssyncadd.s32 $0xFFFFEC00  }
0xe6: {  	[tilespmem:s20], [sflag:$0x5] =	stream.linear.gather [hbm4b:s11+s5], $0x1400, $0x38;
	[tilespmem:$0x1FB00] =	vst v63  }
0xe7: {  	_ =	swait.ge [sflag:s19], $0x1400  }
0xe8: {  	[sflag:s19] =	ssyncset.done $0x0  }
0xe9: {  	[sflag:s19] =	ssyncadd.s32 $0xFFFFEC00  }
0xea: {  	[tilespmem:s22], [sflag:$0x1] =	stream.indirect.gather [hbm4b:s0+s21], $0x80, s5, s21, $0xb8;
	[tilespmem:$0x1FB00] =	vst v63  }
0xeb: {  	_ = 	snop  }
0xec: {  	[tilespmem:s23], [sflag:$0x2] =	stream.indirect.gather [hbm4b:s0+s21], $0x80, s21, s21, $0xb8;
	[tilespmem:$0x1FB00] =	vst v63  }
0xed: {  	_ =	swait.ge [sflag:s24], $0x4000  }
0xee: {  	[sflag:s24] =	ssyncset.done $0x0  }
0xef: {  	[sflag:s24] =	ssyncadd.s32 $0xFFFFC000  }
0xf0: {  	[spmem:s1] =	stream.indirect.scatter.add.f32 [tilespmem:s22], [sflag:$0x5], $0x80, s20, s21, $0xb8;
	[tilespmem:$0x1FB00] =	vst v63  }
0xf1: {  	_ =	swait.ge [sflag:s19], $0x4000  }
0xf2: {  	[sflag:s19] =	ssyncset.done $0x0  }
0xf3: {  	[sflag:s19] =	ssyncadd.s32 $0xFFFFC000  }
0xf4: {  	[spmem:s3] =	stream.indirect.scatter.add.f32 [tilespmem:s26], [sflag:$0x3], $0x1, s20, s21, $0xb8;
	[tilespmem:$0x1FB00] =	vst v63  }
0xf5: {  	_ = 	snop  }
0xf6: {  	[tilespmem:s22], [sflag:$0x1] =	stream.indirect.gather [hbm4b:s0+s21], $0x80, s28, s21, $0xb8;
	[tilespmem:$0x1FB00] =	vst v63  }
0xf7: {  	_ =	swait.ge [sflag:s29], $0x4000  }
0xf8: {  	[sflag:s29] =	ssyncset.done $0x0  }
0xf9: {  	[sflag:s29] =	ssyncadd.s32 $0xFFFFC000  }
0xfa: {  	[spmem:s1] =	stream.indirect.scatter.add.f32 [tilespmem:s23], [sflag:$0x5], $0x80, s30, s21, $0xb8;
	[tilespmem:$0x1FB00] =	vst v63  }
0xfb: {  	_ =	swait.ge [sflag:s19], $0x4000  }
0xfc: {  	[sflag:s19] =	ssyncset.done $0x0  }
0xfd: {  	[sflag:s19] =	ssyncadd.s32 $0xFFFFC000  }
0xfe: {  	[spmem:s3] =	stream.indirect.scatter.add.f32 [tilespmem:s26], [sflag:$0x4], $0x1, s30, s21, $0xb8;
	[tilespmem:$0x1FB00] =	vst v63  }
0xff: {  	s12 =	simm.s32 $0x180  }
0x100: {  	[tilespmem:s23], [sflag:$0x2] =	stream.indirect.gather [hbm4b:s0+s21], $0x80, s12, s21, $0xb8;
	[tilespmem:$0x1FB00] =	vst v63  }
0x101: {  	_ =	swait.ge [sflag:s24], $0x4000  }
0x102: {  	[sflag:s24] =	ssyncset.done $0x0  }
0x103: {  	s13 =	simm.s32 $0x1500;
	[sflag:s24] =	ssyncadd.s32 $0xFFFFC000  }
0x104: {  	[spmem:s1] =	stream.indirect.scatter.add.f32 [tilespmem:s22], [sflag:$0x5], $0x80, s13, s21, $0xb8;
	[tilespmem:$0x1FB00] =	vst v63  }
0x105: {  	_ =	swait.ge [sflag:s19], $0x4000  }
0x106: {  	[sflag:s19] =	ssyncset.done $0x0  }
0x107: {  	[sflag:s19] =	ssyncadd.s32 $0xFFFFC000  }
0x108: {  	_ =	swait.ge [sflag:s31], $0x80  }
0x109: {  	[sflag:s31] =	ssyncset.done $0x0  }
0x10a: {  	[sflag:s31] =	ssyncadd.s32 $0xFFFFFF80  }
0x10b: {  	[spmem:s3] =	stream.indirect.scatter.add.f32 [tilespmem:s26], [sflag:$0x3], $0x1, s13, s21, $0xb8;
	[tilespmem:$0x1FB00] =	vst v63  }
0x10c: {  	s14 =	simm.s32 $0x200  }
0x10d: {  	[tilespmem:s22], [sflag:$0x1] =	stream.indirect.gather [hbm4b:s0+s21], $0x80, s14, s21, $0xb8;
	[tilespmem:$0x1FB00] =	vst v63  }
0x10e: {  	_ =	swait.ge [sflag:s29], $0x4000  }
0x10f: {  	[sflag:s29] =	ssyncset.done $0x0  }
0x110: {  	s11 =	simm.s32 $0x1580;
	[sflag:s29] =	ssyncadd.s32 $0xFFFFC000  }
0x111: {  	[spmem:s1] =	stream.indirect.scatter.add.f32 [tilespmem:s23], [sflag:$0x5], $0x80, s11, s21, $0xb8;
	[tilespmem:$0x1FB00] =	vst v63  }
0x112: {  	_ =	swait.ge [sflag:s19], $0x4000  }
0x113: {  	[sflag:s19] =	ssyncset.done $0x0  }
0x114: {  	[sflag:s19] =	ssyncadd.s32 $0xFFFFC000  }
0x115: {  	_ =	swait.ge [sflag:s2], $0x80  }
0x116: {  	[sflag:s2] =	ssyncset.done $0x0  }
0x117: {  	s10 =	simm.s32 $0xFFFFEF00;
	s12 =	simm.s32 $0xFFFFC000;
	[sflag:s2] =	ssyncadd.s32 $0xFFFFFF80  }
.LBB2_10:
0x118: {  	[spmem:s3] =	stream.indirect.scatter.add.f32 [tilespmem:s26], [sflag:$0x4], $0x1, s11, s21, $0xb8;
	[tilespmem:$0x1FB00] =	vst v63  }
0x119: {  	s11 =	smov.u32 s12  }
0x11a: {  	s14 =	sadd.s32 $0x400, s12;
	s13 =	sshra.s32 s11, $0x2;
	s11 =	sadd.s32 $0x1380, s10  }
0x11b: {  	[tilespmem:s23], [sflag:$0x2] =	stream.indirect.gather [hbm4b:s0+s21], $0x80, s11, s21, $0xb8;
	[tilespmem:$0x1FB00] =	vst v63  }
0x11c: {  	p1 =	sne.s32 s12, $0xFFFFFC00;
	_ =	swait.ge [sflag:s24], $0x4000  }
0x11d: {  	[sflag:s24] =	ssyncset.done $0x0  }
0x11e: {  	s11 =	sadd.s32 $0x2700, s10;
	[sflag:s24] =	ssyncadd.s32 $0xFFFFC000  }
0x11f: {  	[spmem:s1] =	stream.indirect.scatter.add.f32 [tilespmem:s22], [sflag:$0x5], $0x80, s11, s21, $0xb8;
	[tilespmem:$0x1FB00] =	vst v63  }
0x120: {  	_ =	swait.ge [sflag:s19], $0x4000  }
0x121: {  	[sflag:s19] =	ssyncset.done $0x0  }
0x122: {  	[sflag:s19] =	ssyncadd.s32 $0xFFFFC000  }
0x123: {  	_ =	swait.ge [sflag:s31], $0x80  }
0x124: {  	[sflag:s31] =	ssyncset.done $0x0  }
0x125: {  	[sflag:s31] =	ssyncadd.s32 $0xFFFFFF80  }
0x126: {  	[spmem:s3] =	stream.indirect.scatter.add.f32 [tilespmem:s26], [sflag:$0x3], $0x1, s11, s21, $0xb8;
	[tilespmem:$0x1FB00] =	vst v63  }
0x127: {  	s11 =	sadd.s32 $0x1400, s10  }
0x128: {  	[tilespmem:s22], [sflag:$0x1] =	stream.indirect.gather [hbm4b:s0+s21], $0x80, s11, s21, $0xb8;
	[tilespmem:$0x1FB00] =	vst v63  }
0x129: {  	_ =	swait.ge [sflag:s29], $0x4000  }
0x12a: {  	[sflag:s29] =	ssyncset.done $0x0  }
0x12b: {  	s11 =	sadd.s32 $0x2780, s10;
	s10 =	smov.u32 s13;
	[sflag:s29] =	ssyncadd.s32 $0xFFFFC000  }
0x12c: {  	[spmem:s1] =	stream.indirect.scatter.add.f32 [tilespmem:s23], [sflag:$0x5], $0x80, s11, s21, $0xb8;
	[tilespmem:$0x1FB00] =	vst v63  }
0x12d: {  	_ =	swait.ge [sflag:s19], $0x4000  }
.Ltmp4:
0x12e: {  	[sflag:s19] =	ssyncset.done $0x0;
	(pc) =	sbr.rel @p1 .LBB2_10-.Ltmp4, $4  }
0x12f: {  	[sflag:s19] =	ssyncadd.s32 $0xFFFFC000  }
0x130: {  	_ =	swait.ge [sflag:s2], $0x80  }
0x131: {  	[sflag:s2] =	ssyncset.done $0x0  }
0x132: {  	s12 =	smov.u32 s14;
	[sflag:s2] =	ssyncadd.s32 $0xFFFFFF80  }
0x133: {  	[spmem:s3] =	stream.indirect.scatter.add.f32 [tilespmem:s26], [sflag:$0x4], $0x1, s11, s21, $0xb8;
	[tilespmem:$0x1FB00] =	vst v63  }
0x134: {  	s13 =	sadd.s32 $0x1380, s10  }
0x135: {  	[tilespmem:s23], [sflag:$0x2] =	stream.indirect.gather [hbm4b:s0+s21], $0x80, s13, s21, $0xb8;
	[tilespmem:$0x1FB00] =	vst v63  }
0x136: {  	_ =	swait.ge [sflag:s24], $0x4000  }
0x137: {  	[sflag:s24] =	ssyncset.done $0x0  }
0x138: {  	s14 =	sadd.s32 $0x2700, s10;
	[sflag:s24] =	ssyncadd.s32 $0xFFFFC000  }
0x139: {  	[spmem:s1] =	stream.indirect.scatter.add.f32 [tilespmem:s22], [sflag:$0x5], $0x80, s14, s21, $0xb8;
	[tilespmem:$0x1FB00] =	vst v63  }
0x13a: {  	_ =	swait.ge [sflag:s19], $0x4000  }
0x13b: {  	[sflag:s19] =	ssyncset.done $0x0  }
0x13c: {  	[sflag:s19] =	ssyncadd.s32 $0xFFFFC000  }
0x13d: {  	_ =	swait.ge [sflag:s31], $0x80  }
0x13e: {  	[sflag:s31] =	ssyncset.done $0x0  }
0x13f: {  	[sflag:s31] =	ssyncadd.s32 $0xFFFFFF80  }
0x140: {  	[spmem:s3] =	stream.indirect.scatter.add.f32 [tilespmem:s26], [sflag:$0x3], $0x1, s14, s21, $0xb8;
	[tilespmem:$0x1FB00] =	vst v63  }
0x141: {  	s12 =	sadd.s32 $0x1400, s10  }
0x142: {  	[tilespmem:s22], [sflag:$0x1] =	stream.indirect.gather [hbm4b:s0+s21], $0x80, s12, s21, $0xb8;
	[tilespmem:$0x1FB00] =	vst v63  }
0x143: {  	_ =	swait.ge [sflag:s29], $0x4000  }
0x144: {  	[sflag:s29] =	ssyncset.done $0x0  }
0x145: {  	s13 =	sadd.s32 $0x2780, s10;
	[sflag:s29] =	ssyncadd.s32 $0xFFFFC000  }
0x146: {  	[spmem:s1] =	stream.indirect.scatter.add.f32 [tilespmem:s23], [sflag:$0x5], $0x80, s13, s21, $0xb8;
	[tilespmem:$0x1FB00] =	vst v63  }
0x147: {  	_ =	swait.ge [sflag:s19], $0x4000  }
0x148: {  	[sflag:s19] =	ssyncset.done $0x0  }
0x149: {  	[sflag:s19] =	ssyncadd.s32 $0xFFFFC000  }
0x14a: {  	_ =	swait.ge [sflag:s2], $0x80  }
0x14b: {  	[sflag:s2] =	ssyncset.done $0x0  }
0x14c: {  	[sflag:s2] =	ssyncadd.s32 $0xFFFFFF80  }
0x14d: {  	[spmem:s3] =	stream.indirect.scatter.add.f32 [tilespmem:s26], [sflag:$0x4], $0x1, s13, s21, $0xb8;
	[tilespmem:$0x1FB00] =	vst v63  }
0x14e: {  	_ = 	snop  }
0x14f: {  	[tilespmem:s23], [sflag:$0x2] =	stream.indirect.gather [hbm4b:s0+s21], $0x80, s4, s21, $0xb8;
	[tilespmem:$0x1FB00] =	vst v63  }
0x150: {  	_ =	swait.ge [sflag:s24], $0x4000  }
0x151: {  	[sflag:s24] =	ssyncset.done $0x0  }
0x152: {  	[sflag:s24] =	ssyncadd.s32 $0xFFFFC000  }
0x153: {  	[spmem:s1] =	stream.indirect.scatter.add.f32 [tilespmem:s22], [sflag:$0x5], $0x80, s7, s21, $0xb8;
	[tilespmem:$0x1FB00] =	vst v63  }
0x154: {  	_ =	swait.ge [sflag:s19], $0x4000  }
0x155: {  	[sflag:s19] =	ssyncset.done $0x0  }
0x156: {  	[sflag:s19] =	ssyncadd.s32 $0xFFFFC000  }
0x157: {  	_ =	swait.ge [sflag:s31], $0x80  }
0x158: {  	[sflag:s31] =	ssyncset.done $0x0  }
0x159: {  	[sflag:s31] =	ssyncadd.s32 $0xFFFFFF80  }
0x15a: {  	[spmem:s3] =	stream.indirect.scatter.add.f32 [tilespmem:s26], [sflag:$0x3], $0x1, s7, s21, $0xb8;
	[tilespmem:$0x1FB00] =	vst v63  }
0x15b: {  	_ =	swait.ge [sflag:s29], $0x4000  }
0x15c: {  	[sflag:s29] =	ssyncset.done $0x0  }
0x15d: {  	[sflag:s29] =	ssyncadd.s32 $0xFFFFC000  }
0x15e: {  	[spmem:s1] =	stream.indirect.scatter.add.f32 [tilespmem:s23], [sflag:$0x5], $0x80, s8, s21, $0xb8;
	[tilespmem:$0x1FB00] =	vst v63  }
0x15f: {  	_ =	swait.ge [sflag:s19], $0x4000  }
0x160: {  	[sflag:s19] =	ssyncset.done $0x0  }
0x161: {  	[sflag:s19] =	ssyncadd.s32 $0xFFFFC000  }
0x162: {  	_ =	swait.ge [sflag:s2], $0x80  }
0x163: {  	[sflag:s2] =	ssyncset.done $0x0  }
0x164: {  	[sflag:s2] =	ssyncadd.s32 $0xFFFFFF80  }
0x165: {  	[spmem:s3] =	stream.indirect.scatter.add.f32 [tilespmem:s26], [sflag:$0x4], $0x1, s8, s21, $0xb8;
	[tilespmem:$0x1FB00] =	vst v63  }
0x166: {  	_ =	swait.ge [sflag:s31], $0x80  }
0x167: {  	[sflag:s31] =	ssyncset.done $0x0  }
0x168: {  	[sflag:s31] =	ssyncadd.s32 $0xFFFFFF80  }
0x169: {  	_ =	swait.ge [sflag:s2], $0x80  }
0x16a: {  	s14 =	stileid.u32;
	[sflag:s2] =	ssyncset.done $0x0  }
0x16b: {  	s10 =	sshll.u32 s14, $0x6;
	[sflag:s2] =	ssyncadd.s32 $0xFFFFFF80  }
0x16c: {  	s10 =	sor.u32 $0x1C05, s10;
	[bflag:$0x0] =	sbarrier.arrive $0xFFFF  }
0x16d: {  	[hbm:s15], [sflag:s10] =	dma.local [spmem:s25], $0x2800  }
0x16e: {  	_ =	swait.ge [sflag:s19], $0x2800  }
0x16f: {  	s9 =	sadd.s32 $0x1, s9;
	[sflag:s19] =	ssyncset.done $0x0  }
0x170: {  	s11 =	sshrl.u32 @!p0 s3, $0x3;
	p1 =	sne.s32 s9, s17;
	[sflag:s19] =	ssyncadd.s32 $0xFFFFD800  }
0x171: {  	[hbm:s16], [sflag:s10] =	dma.local @!p0 [spmem:s11], $0x500  }
.Ltmp5:
0x172: {  	_ = 	snop;
	(pc) =	sbr.rel @p1 .LBB2_1-.Ltmp5, $4  }
0x173: {  	s10 =	simm.s32 @!p0 $0x5  }
0x174: {  	_ =	swait.ge @!p0 [sflag:s10], $0x500  }
0x175: {  	[sflag:s10] =	ssyncset.done @!p0 $0x0  }
0x176: {  	[sflag:s10] =	ssyncadd.s32 @!p0 $0xFFFFFB00  }
0x177: {  	_ =	sfence.sel $0x180000  }
0x178: {  	[bflag:$0x0] =	sbarrier.arrive $0xFFFF  }
0x179: {  	_ =	strace $0x90000047  }
0x17a: {  	[bflag:$0x2] =	sbarrier.arrive $0xFFFF  }
0x17b: {  	s0 =	rddreg [dreg:$0x5]  }
0x17c: {  	s0 =	sadd.s32 @!p0 $0x100000, s0  }
0x17d: {  	[sflag:s0] =	ssyncadd.tile.s32 @!p0 $0x1;
	_ =	shalt  }
.Lfunc_end2:
_tile_overlayer_lowered:
.L_overlay_start_2:
0x17e: {  	(tag) =	ssettag $0x2  }
0x17f: {  	s0 =	rddreg [dreg:$0x0];
	s2 =	stileid.u32  }
0x180: {  	s1 =	rddreg [dreg:$0x1];
	p0 =	sne.s32 s2, $0x0  }
0x181: {  	s3 =	rddreg [dreg:$0x2];
	[bflag:$0x3] =	sbarrier.arrive $0xFFFF;
	s2 =	simm.s32 @!p0 $0x1C05  }
0x182: {  	[timem:s3], [sflag:s2] =	dma.local @!p0 [hbm:s0], s1  }
0x183: {  	s0 =	simm.s32 @!p0 $0x5  }
0x184: {  	_ =	swait.ge @!p0 [sflag:s0], s1  }
0x185: {  	s1 =	ssub.s32 @!p0 $0x0, s1;
	[sflag:s0] =	ssyncset.done @!p0 $0x0  }
0x186: {  	[sflag:s0] =	ssyncadd.s32 @!p0 s1  }
0x187: {  	[bflag:$0x3] =	sbarrier.arrive $0xFFFF  }
0x188: {  	_ =	shalt  }

</sc_bundles>
